<compile_context>
chip_gen: v7x
topology: tpu7x:2x2x1
jax: 0.10.2.dev20260603
libtpu: 0.0.44.dev20260713+nightly
codegen_flags: <defaults>
</compile_context>

<pallas_src>
import functools
import math

import jax
import jax.numpy as jnp
from jax import lax
from jax.experimental import pallas as pl
from jax.experimental.pallas import tpu as pltpu
from jax.experimental.pallas import tpu_sc as plsc

_D = 32
_L = 16
_NC, _NS = 2, 16
_NW = _NC * _NS
_CHUNK = 1280
_NBUF = 2
_SCALE = math.sqrt(32.0)


def kernel(encoded_data, embedding_table):
    batch, seqlen = encoded_data.shape
    n = batch * seqlen
    per_w = n // _NW
    nchunk = per_w // _CHUNK
    nsuper = nchunk // _NBUF
    assert per_w * _NW == n and nchunk * _CHUNK == per_w
    assert nsuper * _NBUF == nchunk and nsuper >= 2

    idx_flat = encoded_data.reshape(n).astype(jnp.int32)

    mesh = plsc.VectorSubcoreMesh(
        core_axis_name="c", subcore_axis_name="s",
        num_cores=_NC, num_subcores=_NS)

    @functools.partial(
        pl.kernel,
        out_type=jax.ShapeDtypeStruct((n, _D), jnp.float32),
        mesh=mesh,
        scratch_types=[
            pltpu.VMEM((per_w,), jnp.int32),
            pltpu.VMEM((_NBUF, _CHUNK, _D), jnp.float32),
            pltpu.SemaphoreType.DMA,
            pltpu.SemaphoreType.DMA,
            pltpu.SemaphoreType.DMA,
            pltpu.SemaphoreType.DMA,
        ],
        compiler_params=pltpu.CompilerParams(use_tc_tiling_on_sc=False),
    )
    def emb(idx_hbm, table_hbm, out_hbm, idx_all, rows, sg0, sg1, so0, so1):
        sg = (sg0, sg1)
        so = (so0, so1)
        wid = lax.axis_index("s") * _NC + lax.axis_index("c")
        w_base = wid * per_w
        pltpu.sync_copy(idx_hbm.at[pl.ds(w_base, per_w)], idx_all)

        def gather_desc(c, b):
            return pltpu.make_async_copy(
                table_hbm.at[idx_all.at[pl.ds(c * _CHUNK, _CHUNK)]],
                rows.at[b], sg[b])

        def store_desc(c, b):
            return pltpu.make_async_copy(
                rows.at[b], out_hbm.at[pl.ds(w_base + c * _CHUNK, _CHUNK)],
                so[b])

        def scale(b):
            @pl.loop(0, _CHUNK, unroll=8)
            def scale_row(i):
                rows[b, i, pl.ds(0, _L)] = rows[b, i, pl.ds(0, _L)] * _SCALE
                rows[b, i, pl.ds(_L, _L)] = rows[b, i, pl.ds(_L, _L)] * _SCALE

        for b in range(_NBUF):
            gather_desc(b, b).start()

        @pl.loop(0, nsuper - 1)
        def super_step(g):
            for b in range(_NBUF):
                c = g * _NBUF + b
                gather_desc(c, b).wait()
                scale(b)
                sd = store_desc(c, b)
                sd.start()
                sd.wait()
                gather_desc(c + _NBUF, b).start()

        for b in range(_NBUF):
            c_last = (nsuper - 1) * _NBUF + b
            gather_desc(c_last, b).wait()
            scale(b)
            store_desc(c_last, b).start()
        for b in range(_NBUF):
            store_desc(nchunk - _NBUF + b, b).wait()

    out = emb(idx_flat, embedding_table)
    return out.reshape(batch, seqlen, _D)

# --- scband reference (transcript-rebuilt; emitter-appended) ---
"""Pipeline reference for scband-embedding-27522150433297 (READ-ONLY COPY).

The authoritative reference and input builder live on the scoring server;
editing this copy changes nothing except your own understanding.
"""

import jax, jax.numpy as jnp
import numpy as np
import math

VOCAB_SIZE = 1000000
EMBEDDING_DIM = 32
MAX_LEN = 200
BATCH = 4096


def create_positional_encoding(max_len, embedding_dim):
    # Faithful to original torch code: range(embedding_dim, 2) is EMPTY for
    # embedding_dim >= 2, so the positional encoding is all zeros.
    positional_encoding = np.zeros((max_len, embedding_dim), dtype=np.float32)
    for pos in range(max_len):
        for i in range(embedding_dim, 2):
            positional_encoding[pos, i] = math.sin(pos / 10000 ** (2 * i / embedding_dim))
            positional_encoding[pos, i + 1] = math.cos(pos / 10000 ** (2 * (i + 1) / embedding_dim))
    return jnp.asarray(positional_encoding)[None, :, :]  # [1, max_len, dim]


def setup_inputs(seed: int = 0) -> dict:
    key = jax.random.key(seed)
    k1, k2 = jax.random.split(key)
    encoded_data = jax.random.randint(k1, (BATCH, MAX_LEN), 0, VOCAB_SIZE, dtype=jnp.int64 if jax.config.jax_enable_x64 else jnp.int32)
    embedding_table = jax.random.normal(k2, (VOCAB_SIZE, EMBEDDING_DIM), dtype=jnp.float32)
    return {"encoded_data": encoded_data, "embedding_table": embedding_table}


def reference(encoded_data, embedding_table):
    # embeddings = self.embedding(encoded_data) * sqrt(embedding_dim)
    embeddings = jnp.take(embedding_table, encoded_data, axis=0) * math.sqrt(EMBEDDING_DIM)
    max_words = embeddings.shape[1]
    pe = create_positional_encoding(MAX_LEN, EMBEDDING_DIM)
    embeddings = embeddings + pe[:, :max_words]
    # self.dropout is undefined in the original module (would raise); treated
    # as identity (eval-mode dropout) here.
    return embeddings

if __name__ == "__main__":
    import jax
    _d = setup_inputs()
    print(jax.jit(kernel)(*tuple(_d.values())))

</pallas_src>

<mosaic_0001>
#map = affine_map<(d0, d1) -> (0)>
#map1 = affine_map<(d0, d1) -> (0, 0)>
module attributes {stable_mosaic.version = 14 : i64} {
  func.func @emb(%arg0: i32, %arg1: i32, %arg2: memref<819200xi32, #tpu.memory_space<hbm>>, %arg3: memref<1000000x32xf32, #tpu.memory_space<hbm>>, %arg4: memref<819200x32xf32, #tpu.memory_space<hbm>>, %arg5: memref<25600xi32, #tpu.memory_space<vmem>>, %arg6: memref<2x1280x32xf32, #tpu.memory_space<vmem>>, %arg7: memref<!tpu.dma_semaphore, #tpu.memory_space<semaphore_mem>>, %arg8: memref<!tpu.dma_semaphore, #tpu.memory_space<semaphore_mem>>, %arg9: memref<!tpu.dma_semaphore, #tpu.memory_space<semaphore_mem>>, %arg10: memref<!tpu.dma_semaphore, #tpu.memory_space<semaphore_mem>>) attributes {dimension_semantics = [#tpu.dimension_semantics<core_parallel>, #tpu.dimension_semantics<subcore_parallel>], iteration_bounds = array<i64: 2, 16>, scalar_prefetch = 0 : i64, scratch_operands = 6 : i64, tpu.core_type = #tpu.core_type<sc_vector_subcore>, window_params = [{transform_indices = #map}, {transform_indices = #map1}, {transform_indices = #map1}]} {
    %mul3A = arith.constant 2 : i32
    %mul3A_0 = arith.muli %arg1, %mul3A : i32
    %add3A = arith.addi %mul3A_0, %arg0 : i32
    %mul3A_1 = arith.constant 25600 : i32
    %mul3A_2 = arith.muli %add3A, %mul3A_1 : i32
    "tpu.region"() ({
      %run_scoped3A = tpu.sem_alloc : memref<!tpu.dma_semaphore, #tpu.memory_space<semaphore_mem>>
      %dma_start3A_115 = tpu.memref_slice %arg2[%mul3A_2] : memref<819200xi32, #tpu.memory_space<hbm>> -> memref<25600xi32, #tpu.memory_space<hbm>>
      %dma_start3A_116 = tpu.memref_slice %arg2[%mul3A_2] : memref<819200xi32, #tpu.memory_space<hbm>> -> memref<25600xi32, #tpu.memory_space<hbm>>
      tpu.enqueue_dma source(%dma_start3A_116 : memref<25600xi32, #tpu.memory_space<hbm>>) target(%arg5 : memref<25600xi32, #tpu.memory_space<vmem>>) target_semaphore(%run_scoped3A : memref<!tpu.dma_semaphore, #tpu.memory_space<semaphore_mem>>)
      %dma_wait3A_117 = tpu.memref_slice %arg2[%mul3A_2] : memref<819200xi32, #tpu.memory_space<hbm>> -> memref<25600xi32, #tpu.memory_space<hbm>>
      %dma_wait3A_118 = tpu.memref_slice %arg2[%mul3A_2] : memref<819200xi32, #tpu.memory_space<hbm>> -> memref<25600xi32, #tpu.memory_space<hbm>>
      tpu.wait_dma2 semaphore(%run_scoped3A : memref<!tpu.dma_semaphore, #tpu.memory_space<semaphore_mem>>) src(%dma_wait3A_118 : memref<25600xi32, #tpu.memory_space<hbm>>) dst(%arg5 : memref<25600xi32, #tpu.memory_space<vmem>>)
      tpu.yield
    }) : () -> ()
    %dma_start3A = arith.constant 0 : i32
    %dma_start3A_3 = arith.constant 0 : i32
    %dma_start3A_4 = arith.constant 0 : i32
    %dma_start3A_5 = tpu.memref_slice %arg6[%dma_start3A, %dma_start3A_3, %dma_start3A_4] : memref<2x1280x32xf32, #tpu.memory_space<vmem>> -> memref<1x1280x32xf32, #tpu.memory_space<vmem>>
    %dma_start3A_6 = tpu.memref_squeeze %dma_start3A_5 : memref<1x1280x32xf32, #tpu.memory_space<vmem>> -> memref<1280x32xf32, #tpu.memory_space<vmem>>
    %dma_start3A_7 = arith.constant 0 : i32
    %dma_start3A_8 = tpu.memref_slice %arg5[%dma_start3A_7] : memref<25600xi32, #tpu.memory_space<vmem>> -> memref<1280xi32, #tpu.memory_space<vmem>>
    %dma_start3A_9 = arith.constant 0 : i32
    %dma_start3A_10 = arith.constant 0 : i32
    %dma_start3A_11 = tpu.memref_slice %arg3[%dma_start3A_9, %dma_start3A_10] : memref<1000000x32xf32, #tpu.memory_space<hbm>> -> memref<1000000x32xf32, #tpu.memory_space<hbm>>
    tpu.enqueue_indirect_dma source(%dma_start3A_11 : memref<1000000x32xf32, #tpu.memory_space<hbm>>) target(%dma_start3A_6 : memref<1280x32xf32, #tpu.memory_space<vmem>>) offsets(%dma_start3A_8 : memref<1280xi32, #tpu.memory_space<vmem>>) semaphore(%arg7 : memref<!tpu.dma_semaphore, #tpu.memory_space<semaphore_mem>>)
    %dma_start3A_12 = arith.constant 1 : i32
    %dma_start3A_13 = arith.constant 0 : i32
    %dma_start3A_14 = arith.constant 0 : i32
    %dma_start3A_15 = tpu.memref_slice %arg6[%dma_start3A_12, %dma_start3A_13, %dma_start3A_14] : memref<2x1280x32xf32, #tpu.memory_space<vmem>> -> memref<1x1280x32xf32, #tpu.memory_space<vmem>>
    %dma_start3A_16 = tpu.memref_squeeze %dma_start3A_15 : memref<1x1280x32xf32, #tpu.memory_space<vmem>> -> memref<1280x32xf32, #tpu.memory_space<vmem>>
    %dma_start3A_17 = arith.constant 1280 : i32
    %dma_start3A_18 = tpu.memref_slice %arg5[%dma_start3A_17] : memref<25600xi32, #tpu.memory_space<vmem>> -> memref<1280xi32, #tpu.memory_space<vmem>>
    %dma_start3A_19 = arith.constant 0 : i32
    %dma_start3A_20 = arith.constant 0 : i32
    %dma_start3A_21 = tpu.memref_slice %arg3[%dma_start3A_19, %dma_start3A_20] : memref<1000000x32xf32, #tpu.memory_space<hbm>> -> memref<1000000x32xf32, #tpu.memory_space<hbm>>
    tpu.enqueue_indirect_dma source(%dma_start3A_21 : memref<1000000x32xf32, #tpu.memory_space<hbm>>) target(%dma_start3A_16 : memref<1280x32xf32, #tpu.memory_space<vmem>>) offsets(%dma_start3A_18 : memref<1280xi32, #tpu.memory_space<vmem>>) semaphore(%arg8 : memref<!tpu.dma_semaphore, #tpu.memory_space<semaphore_mem>>)
    %scan3A = arith.constant 0 : i32
    %scan3A_22 = arith.constant 9 : i32
    %scan3A_23 = arith.addi %scan3A, %scan3A_22 : i32
    %scan3A_24 = arith.constant 1 : i32
    scf.for %scan3A_115 = %scan3A to %scan3A_23 step %scan3A_24  : i32 {
      %mul3A_116 = arith.constant 1 : i32
      %mul3A_117 = arith.muli %scan3A_115, %mul3A_116 : i32
      %add3A_118 = arith.constant 0 : i32
      %add3A_119 = arith.addi %add3A_118, %mul3A_117 : i32
      %mul3A_120 = arith.constant 2 : i32
      %mul3A_121 = arith.muli %add3A_119, %mul3A_120 : i32
      %add3A_122 = arith.constant 0 : i32
      %add3A_123 = arith.addi %mul3A_121, %add3A_122 : i32
      %mul3A_124 = arith.constant 1280 : i32
      %mul3A_125 = arith.muli %add3A_123, %mul3A_124 : i32
      %dma_wait3A_126 = arith.constant 0 : i32
      %dma_wait3A_127 = arith.constant 0 : i32
      %dma_wait3A_128 = arith.constant 0 : i32
      %dma_wait3A_129 = tpu.memref_slice %arg6[%dma_wait3A_126, %dma_wait3A_127, %dma_wait3A_128] : memref<2x1280x32xf32, #tpu.memory_space<vmem>> -> memref<1x1280x32xf32, #tpu.memory_space<vmem>>
      %dma_wait3A_130 = tpu.memref_squeeze %dma_wait3A_129 : memref<1x1280x32xf32, #tpu.memory_space<vmem>> -> memref<1280x32xf32, #tpu.memory_space<vmem>>
      %dma_wait3A_131 = tpu.memref_slice %arg5[%mul3A_125] : memref<25600xi32, #tpu.memory_space<vmem>> -> memref<1280xi32, #tpu.memory_space<vmem>>
      %dma_wait3A_132 = arith.constant 0 : i32
      %dma_wait3A_133 = arith.constant 0 : i32
      %dma_wait3A_134 = tpu.memref_slice %arg3[%dma_wait3A_132, %dma_wait3A_133] : memref<1000000x32xf32, #tpu.memory_space<hbm>> -> memref<1000000x32xf32, #tpu.memory_space<hbm>>
      tpu.wait_indirect_dma semaphore(%arg7 : memref<!tpu.dma_semaphore, #tpu.memory_space<semaphore_mem>>) src(%dma_wait3A_134 : memref<1000000x32xf32, #tpu.memory_space<hbm>>) dst(%dma_wait3A_130 : memref<1280x32xf32, #tpu.memory_space<vmem>>)
      %scan3A_135 = arith.constant 0 : i32
      %scan3A_136 = arith.constant 1280 : i32
      %scan3A_137 = arith.addi %scan3A_135, %scan3A_136 : i32
      %scan3A_138 = arith.constant 8 : i32
      scf.for %scan3A_244 = %scan3A_135 to %scan3A_137 step %scan3A_138  : i32 {
        %mul3A_245 = arith.constant 1 : i32
        %mul3A_246 = arith.muli %scan3A_244, %mul3A_245 : i32
        %add3A_247 = arith.constant 0 : i32
        %add3A_248 = arith.addi %add3A_247, %mul3A_246 : i32
        %get3A = arith.constant 0 : i32
        %get3A_249 = arith.index_cast %get3A : i32 to index
        %get3A_250 = arith.index_cast %add3A_248 : i32 to index
        %get3A_251 = arith.constant 0 : index
        %get3A_252 = tpu.vector_load %arg6[%get3A_249, %get3A_250, %get3A_251] {strides = array<i32>} : memref<2x1280x32xf32, #tpu.memory_space<vmem>>, vector<1x1x16xf32>,
        %get3A_253 = vector.shape_cast %get3A_252 : vector<1x1x16xf32> to vector<16xf32>
        %mul3A_254 = arith.constant 5.65685415 : f32
        %mul3A_255 = vector.broadcast %mul3A_254 : f32 to vector<16xf32>
        %mul3A_256 = arith.mulf %get3A_253, %mul3A_255 : vector<16xf32>
        %swap3A = arith.constant 0 : i32
        %swap3A_257 = arith.index_cast %swap3A : i32 to index
        %swap3A_258 = arith.index_cast %add3A_248 : i32 to index
        %swap3A_259 = arith.constant 0 : index
        %swap3A_260 = tpu.vector_load %arg6[%swap3A_257, %swap3A_258, %swap3A_259] {strides = array<i32>} : memref<2x1280x32xf32, #tpu.memory_space<vmem>>, vector<1x1x16xf32>,
        %swap3A_261 = vector.shape_cast %swap3A_260 : vector<1x1x16xf32> to vector<16xf32>
        %swap3A_262 = vector.shape_cast %mul3A_256 : vector<16xf32> to vector<1x1x16xf32>
        tpu.vector_store %arg6[%swap3A_257, %swap3A_258, %swap3A_259], %swap3A_262 {strides = array<i32>} : memref<2x1280x32xf32, #tpu.memory_space<vmem>>, vector<1x1x16xf32>,
        %get3A_263 = arith.constant 0 : i32
        %get3A_264 = arith.index_cast %get3A_263 : i32 to index
        %get3A_265 = arith.index_cast %add3A_248 : i32 to index
        %get3A_266 = arith.constant 16 : index
        %get3A_267 = tpu.vector_load %arg6[%get3A_264, %get3A_265, %get3A_266] {strides = array<i32>} : memref<2x1280x32xf32, #tpu.memory_space<vmem>>, vector<1x1x16xf32>,
        %get3A_268 = vector.shape_cast %get3A_267 : vector<1x1x16xf32> to vector<16xf32>
        %mul3A_269 = arith.constant 5.65685415 : f32
        %mul3A_270 = vector.broadcast %mul3A_269 : f32 to vector<16xf32>
        %mul3A_271 = arith.mulf %get3A_268, %mul3A_270 : vector<16xf32>
        %swap3A_272 = arith.constant 0 : i32
        %swap3A_273 = arith.index_cast %swap3A_272 : i32 to index
        %swap3A_274 = arith.index_cast %add3A_248 : i32 to index
        %swap3A_275 = arith.constant 16 : index
        %swap3A_276 = tpu.vector_load %arg6[%swap3A_273, %swap3A_274, %swap3A_275] {strides = array<i32>} : memref<2x1280x32xf32, #tpu.memory_space<vmem>>, vector<1x1x16xf32>,
        %swap3A_277 = vector.shape_cast %swap3A_276 : vector<1x1x16xf32> to vector<16xf32>
        %swap3A_278 = vector.shape_cast %mul3A_271 : vector<16xf32> to vector<1x1x16xf32>
        tpu.vector_store %arg6[%swap3A_273, %swap3A_274, %swap3A_275], %swap3A_278 {strides = array<i32>} : memref<2x1280x32xf32, #tpu.memory_space<vmem>>, vector<1x1x16xf32>,
        %scan3A_279 = arith.constant 1 : i32
        %scan3A_280 = arith.addi %scan3A_244, %scan3A_279 : i32
        %mul3A_281 = arith.constant 1 : i32
        %mul3A_282 = arith.muli %scan3A_280, %mul3A_281 : i32
        %add3A_283 = arith.constant 0 : i32
        %add3A_284 = arith.addi %add3A_283, %mul3A_282 : i32
        %get3A_285 = arith.constant 0 : i32
        %get3A_286 = arith.index_cast %get3A_285 : i32 to index
        %get3A_287 = arith.index_cast %add3A_284 : i32 to index
        %get3A_288 = arith.constant 0 : index
        %get3A_289 = tpu.vector_load %arg6[%get3A_286, %get3A_287, %get3A_288] {strides = array<i32>} : memref<2x1280x32xf32, #tpu.memory_space<vmem>>, vector<1x1x16xf32>,
        %get3A_290 = vector.shape_cast %get3A_289 : vector<1x1x16xf32> to vector<16xf32>
        %mul3A_291 = arith.constant 5.65685415 : f32
        %mul3A_292 = vector.broadcast %mul3A_291 : f32 to vector<16xf32>
        %mul3A_293 = arith.mulf %get3A_290, %mul3A_292 : vector<16xf32>
        %swap3A_294 = arith.constant 0 : i32
        %swap3A_295 = arith.index_cast %swap3A_294 : i32 to index
        %swap3A_296 = arith.index_cast %add3A_284 : i32 to index
        %swap3A_297 = arith.constant 0 : index
        %swap3A_298 = tpu.vector_load %arg6[%swap3A_295, %swap3A_296, %swap3A_297] {strides = array<i32>} : memref<2x1280x32xf32, #tpu.memory_space<vmem>>, vector<1x1x16xf32>,
        %swap3A_299 = vector.shape_cast %swap3A_298 : vector<1x1x16xf32> to vector<16xf32>
        %swap3A_300 = vector.shape_cast %mul3A_293 : vector<16xf32> to vector<1x1x16xf32>
        tpu.vector_store %arg6[%swap3A_295, %swap3A_296, %swap3A_297], %swap3A_300 {strides = array<i32>} : memref<2x1280x32xf32, #tpu.memory_space<vmem>>, vector<1x1x16xf32>,
        %get3A_301 = arith.constant 0 : i32
        %get3A_302 = arith.index_cast %get3A_301 : i32 to index
        %get3A_303 = arith.index_cast %add3A_284 : i32 to index
        %get3A_304 = arith.constant 16 : index
        %get3A_305 = tpu.vector_load %arg6[%get3A_302, %get3A_303, %get3A_304] {strides = array<i32>} : memref<2x1280x32xf32, #tpu.memory_space<vmem>>, vector<1x1x16xf32>,
        %get3A_306 = vector.shape_cast %get3A_305 : vector<1x1x16xf32> to vector<16xf32>
        %mul3A_307 = arith.constant 5.65685415 : f32
        %mul3A_308 = vector.broadcast %mul3A_307 : f32 to vector<16xf32>
        %mul3A_309 = arith.mulf %get3A_306, %mul3A_308 : vector<16xf32>
        %swap3A_310 = arith.constant 0 : i32
        %swap3A_311 = arith.index_cast %swap3A_310 : i32 to index
        %swap3A_312 = arith.index_cast %add3A_284 : i32 to index
        %swap3A_313 = arith.constant 16 : index
        %swap3A_314 = tpu.vector_load %arg6[%swap3A_311, %swap3A_312, %swap3A_313] {strides = array<i32>} : memref<2x1280x32xf32, #tpu.memory_space<vmem>>, vector<1x1x16xf32>,
        %swap3A_315 = vector.shape_cast %swap3A_314 : vector<1x1x16xf32> to vector<16xf32>
        %swap3A_316 = vector.shape_cast %mul3A_309 : vector<16xf32> to vector<1x1x16xf32>
        tpu.vector_store %arg6[%swap3A_311, %swap3A_312, %swap3A_313], %swap3A_316 {strides = array<i32>} : memref<2x1280x32xf32, #tpu.memory_space<vmem>>, vector<1x1x16xf32>,
        %scan3A_317 = arith.constant 2 : i32
        %scan3A_318 = arith.addi %scan3A_244, %scan3A_317 : i32
        %mul3A_319 = arith.constant 1 : i32
        %mul3A_320 = arith.muli %scan3A_318, %mul3A_319 : i32
        %add3A_321 = arith.constant 0 : i32
        %add3A_322 = arith.addi %add3A_321, %mul3A_320 : i32
        %get3A_323 = arith.constant 0 : i32
        %get3A_324 = arith.index_cast %get3A_323 : i32 to index
        %get3A_325 = arith.index_cast %add3A_322 : i32 to index
        %get3A_326 = arith.constant 0 : index
        %get3A_327 = tpu.vector_load %arg6[%get3A_324, %get3A_325, %get3A_326] {strides = array<i32>} : memref<2x1280x32xf32, #tpu.memory_space<vmem>>, vector<1x1x16xf32>,
        %get3A_328 = vector.shape_cast %get3A_327 : vector<1x1x16xf32> to vector<16xf32>
        %mul3A_329 = arith.constant 5.65685415 : f32
        %mul3A_330 = vector.broadcast %mul3A_329 : f32 to vector<16xf32>
        %mul3A_331 = arith.mulf %get3A_328, %mul3A_330 : vector<16xf32>
        %swap3A_332 = arith.constant 0 : i32
        %swap3A_333 = arith.index_cast %swap3A_332 : i32 to index
        %swap3A_334 = arith.index_cast %add3A_322 : i32 to index
        %swap3A_335 = arith.constant 0 : index
        %swap3A_336 = tpu.vector_load %arg6[%swap3A_333, %swap3A_334, %swap3A_335] {strides = array<i32>} : memref<2x1280x32xf32, #tpu.memory_space<vmem>>, vector<1x1x16xf32>,
        %swap3A_337 = vector.shape_cast %swap3A_336 : vector<1x1x16xf32> to vector<16xf32>
        %swap3A_338 = vector.shape_cast %mul3A_331 : vector<16xf32> to vector<1x1x16xf32>
        tpu.vector_store %arg6[%swap3A_333, %swap3A_334, %swap3A_335], %swap3A_338 {strides = array<i32>} : memref<2x1280x32xf32, #tpu.memory_space<vmem>>, vector<1x1x16xf32>,
        %get3A_339 = arith.constant 0 : i32
        %get3A_340 = arith.index_cast %get3A_339 : i32 to index
        %get3A_341 = arith.index_cast %add3A_322 : i32 to index
        %get3A_342 = arith.constant 16 : index
        %get3A_343 = tpu.vector_load %arg6[%get3A_340, %get3A_341, %get3A_342] {strides = array<i32>} : memref<2x1280x32xf32, #tpu.memory_space<vmem>>, vector<1x1x16xf32>,
        %get3A_344 = vector.shape_cast %get3A_343 : vector<1x1x16xf32> to vector<16xf32>
        %mul3A_345 = arith.constant 5.65685415 : f32
        %mul3A_346 = vector.broadcast %mul3A_345 : f32 to vector<16xf32>
        %mul3A_347 = arith.mulf %get3A_344, %mul3A_346 : vector<16xf32>
        %swap3A_348 = arith.constant 0 : i32
        %swap3A_349 = arith.index_cast %swap3A_348 : i32 to index
        %swap3A_350 = arith.index_cast %add3A_322 : i32 to index
        %swap3A_351 = arith.constant 16 : index
        %swap3A_352 = tpu.vector_load %arg6[%swap3A_349, %swap3A_350, %swap3A_351] {strides = array<i32>} : memref<2x1280x32xf32, #tpu.memory_space<vmem>>, vector<1x1x16xf32>,
        %swap3A_353 = vector.shape_cast %swap3A_352 : vector<1x1x16xf32> to vector<16xf32>
        %swap3A_354 = vector.shape_cast %mul3A_347 : vector<16xf32> to vector<1x1x16xf32>
        tpu.vector_store %arg6[%swap3A_349, %swap3A_350, %swap3A_351], %swap3A_354 {strides = array<i32>} : memref<2x1280x32xf32, #tpu.memory_space<vmem>>, vector<1x1x16xf32>,
        %scan3A_355 = arith.constant 3 : i32
        %scan3A_356 = arith.addi %scan3A_244, %scan3A_355 : i32
        %mul3A_357 = arith.constant 1 : i32
        %mul3A_358 = arith.muli %scan3A_356, %mul3A_357 : i32
        %add3A_359 = arith.constant 0 : i32
        %add3A_360 = arith.addi %add3A_359, %mul3A_358 : i32
        %get3A_361 = arith.constant 0 : i32
        %get3A_362 = arith.index_cast %get3A_361 : i32 to index
        %get3A_363 = arith.index_cast %add3A_360 : i32 to index
        %get3A_364 = arith.constant 0 : index
        %get3A_365 = tpu.vector_load %arg6[%get3A_362, %get3A_363, %get3A_364] {strides = array<i32>} : memref<2x1280x32xf32, #tpu.memory_space<vmem>>, vector<1x1x16xf32>,
        %get3A_366 = vector.shape_cast %get3A_365 : vector<1x1x16xf32> to vector<16xf32>
        %mul3A_367 = arith.constant 5.65685415 : f32
        %mul3A_368 = vector.broadcast %mul3A_367 : f32 to vector<16xf32>
        %mul3A_369 = arith.mulf %get3A_366, %mul3A_368 : vector<16xf32>
        %swap3A_370 = arith.constant 0 : i32
        %swap3A_371 = arith.index_cast %swap3A_370 : i32 to index
        %swap3A_372 = arith.index_cast %add3A_360 : i32 to index
        %swap3A_373 = arith.constant 0 : index
        %swap3A_374 = tpu.vector_load %arg6[%swap3A_371, %swap3A_372, %swap3A_373] {strides = array<i32>} : memref<2x1280x32xf32, #tpu.memory_space<vmem>>, vector<1x1x16xf32>,
        %swap3A_375 = vector.shape_cast %swap3A_374 : vector<1x1x16xf32> to vector<16xf32>
        %swap3A_376 = vector.shape_cast %mul3A_369 : vector<16xf32> to vector<1x1x16xf32>
        tpu.vector_store %arg6[%swap3A_371, %swap3A_372, %swap3A_373], %swap3A_376 {strides = array<i32>} : memref<2x1280x32xf32, #tpu.memory_space<vmem>>, vector<1x1x16xf32>,
        %get3A_377 = arith.constant 0 : i32
        %get3A_378 = arith.index_cast %get3A_377 : i32 to index
        %get3A_379 = arith.index_cast %add3A_360 : i32 to index
        %get3A_380 = arith.constant 16 : index
        %get3A_381 = tpu.vector_load %arg6[%get3A_378, %get3A_379, %get3A_380] {strides = array<i32>} : memref<2x1280x32xf32, #tpu.memory_space<vmem>>, vector<1x1x16xf32>,
        %get3A_382 = vector.shape_cast %get3A_381 : vector<1x1x16xf32> to vector<16xf32>
        %mul3A_383 = arith.constant 5.65685415 : f32
        %mul3A_384 = vector.broadcast %mul3A_383 : f32 to vector<16xf32>
        %mul3A_385 = arith.mulf %get3A_382, %mul3A_384 : vector<16xf32>
        %swap3A_386 = arith.constant 0 : i32
        %swap3A_387 = arith.index_cast %swap3A_386 : i32 to index
        %swap3A_388 = arith.index_cast %add3A_360 : i32 to index
        %swap3A_389 = arith.constant 16 : index
        %swap3A_390 = tpu.vector_load %arg6[%swap3A_387, %swap3A_388, %swap3A_389] {strides = array<i32>} : memref<2x1280x32xf32, #tpu.memory_space<vmem>>, vector<1x1x16xf32>,
        %swap3A_391 = vector.shape_cast %swap3A_390 : vector<1x1x16xf32> to vector<16xf32>
        %swap3A_392 = vector.shape_cast %mul3A_385 : vector<16xf32> to vector<1x1x16xf32>
        tpu.vector_store %arg6[%swap3A_387, %swap3A_388, %swap3A_389], %swap3A_392 {strides = array<i32>} : memref<2x1280x32xf32, #tpu.memory_space<vmem>>, vector<1x1x16xf32>,
        %scan3A_393 = arith.constant 4 : i32
        %scan3A_394 = arith.addi %scan3A_244, %scan3A_393 : i32
        %mul3A_395 = arith.constant 1 : i32
        %mul3A_396 = arith.muli %scan3A_394, %mul3A_395 : i32
        %add3A_397 = arith.constant 0 : i32
        %add3A_398 = arith.addi %add3A_397, %mul3A_396 : i32
        %get3A_399 = arith.constant 0 : i32
        %get3A_400 = arith.index_cast %get3A_399 : i32 to index
        %get3A_401 = arith.index_cast %add3A_398 : i32 to index
        %get3A_402 = arith.constant 0 : index
        %get3A_403 = tpu.vector_load %arg6[%get3A_400, %get3A_401, %get3A_402] {strides = array<i32>} : memref<2x1280x32xf32, #tpu.memory_space<vmem>>, vector<1x1x16xf32>,
        %get3A_404 = vector.shape_cast %get3A_403 : vector<1x1x16xf32> to vector<16xf32>
        %mul3A_405 = arith.constant 5.65685415 : f32
        %mul3A_406 = vector.broadcast %mul3A_405 : f32 to vector<16xf32>
        %mul3A_407 = arith.mulf %get3A_404, %mul3A_406 : vector<16xf32>
        %swap3A_408 = arith.constant 0 : i32
        %swap3A_409 = arith.index_cast %swap3A_408 : i32 to index
        %swap3A_410 = arith.index_cast %add3A_398 : i32 to index
        %swap3A_411 = arith.constant 0 : index
        %swap3A_412 = tpu.vector_load %arg6[%swap3A_409, %swap3A_410, %swap3A_411] {strides = array<i32>} : memref<2x1280x32xf32, #tpu.memory_space<vmem>>, vector<1x1x16xf32>,
        %swap3A_413 = vector.shape_cast %swap3A_412 : vector<1x1x16xf32> to vector<16xf32>
        %swap3A_414 = vector.shape_cast %mul3A_407 : vector<16xf32> to vector<1x1x16xf32>
        tpu.vector_store %arg6[%swap3A_409, %swap3A_410, %swap3A_411], %swap3A_414 {strides = array<i32>} : memref<2x1280x32xf32, #tpu.memory_space<vmem>>, vector<1x1x16xf32>,
        %get3A_415 = arith.constant 0 : i32
        %get3A_416 = arith.index_cast %get3A_415 : i32 to index
        %get3A_417 = arith.index_cast %add3A_398 : i32 to index
        %get3A_418 = arith.constant 16 : index
        %get3A_419 = tpu.vector_load %arg6[%get3A_416, %get3A_417, %get3A_418] {strides = array<i32>} : memref<2x1280x32xf32, #tpu.memory_space<vmem>>, vector<1x1x16xf32>,
        %get3A_420 = vector.shape_cast %get3A_419 : vector<1x1x16xf32> to vector<16xf32>
        %mul3A_421 = arith.constant 5.65685415 : f32
        %mul3A_422 = vector.broadcast %mul3A_421 : f32 to vector<16xf32>
        %mul3A_423 = arith.mulf %get3A_420, %mul3A_422 : vector<16xf32>
        %swap3A_424 = arith.constant 0 : i32
        %swap3A_425 = arith.index_cast %swap3A_424 : i32 to index
        %swap3A_426 = arith.index_cast %add3A_398 : i32 to index
        %swap3A_427 = arith.constant 16 : index
        %swap3A_428 = tpu.vector_load %arg6[%swap3A_425, %swap3A_426, %swap3A_427] {strides = array<i32>} : memref<2x1280x32xf32, #tpu.memory_space<vmem>>, vector<1x1x16xf32>,
        %swap3A_429 = vector.shape_cast %swap3A_428 : vector<1x1x16xf32> to vector<16xf32>
        %swap3A_430 = vector.shape_cast %mul3A_423 : vector<16xf32> to vector<1x1x16xf32>
        tpu.vector_store %arg6[%swap3A_425, %swap3A_426, %swap3A_427], %swap3A_430 {strides = array<i32>} : memref<2x1280x32xf32, #tpu.memory_space<vmem>>, vector<1x1x16xf32>,
        %scan3A_431 = arith.constant 5 : i32
        %scan3A_432 = arith.addi %scan3A_244, %scan3A_431 : i32
        %mul3A_433 = arith.constant 1 : i32
        %mul3A_434 = arith.muli %scan3A_432, %mul3A_433 : i32
        %add3A_435 = arith.constant 0 : i32
        %add3A_436 = arith.addi %add3A_435, %mul3A_434 : i32
        %get3A_437 = arith.constant 0 : i32
        %get3A_438 = arith.index_cast %get3A_437 : i32 to index
        %get3A_439 = arith.index_cast %add3A_436 : i32 to index
        %get3A_440 = arith.constant 0 : index
        %get3A_441 = tpu.vector_load %arg6[%get3A_438, %get3A_439, %get3A_440] {strides = array<i32>} : memref<2x1280x32xf32, #tpu.memory_space<vmem>>, vector<1x1x16xf32>,
        %get3A_442 = vector.shape_cast %get3A_441 : vector<1x1x16xf32> to vector<16xf32>
        %mul3A_443 = arith.constant 5.65685415 : f32
        %mul3A_444 = vector.broadcast %mul3A_443 : f32 to vector<16xf32>
        %mul3A_445 = arith.mulf %get3A_442, %mul3A_444 : vector<16xf32>
        %swap3A_446 = arith.constant 0 : i32
        %swap3A_447 = arith.index_cast %swap3A_446 : i32 to index
        %swap3A_448 = arith.index_cast %add3A_436 : i32 to index
        %swap3A_449 = arith.constant 0 : index
        %swap3A_450 = tpu.vector_load %arg6[%swap3A_447, %swap3A_448, %swap3A_449] {strides = array<i32>} : memref<2x1280x32xf32, #tpu.memory_space<vmem>>, vector<1x1x16xf32>,
        %swap3A_451 = vector.shape_cast %swap3A_450 : vector<1x1x16xf32> to vector<16xf32>
        %swap3A_452 = vector.shape_cast %mul3A_445 : vector<16xf32> to vector<1x1x16xf32>
        tpu.vector_store %arg6[%swap3A_447, %swap3A_448, %swap3A_449], %swap3A_452 {strides = array<i32>} : memref<2x1280x32xf32, #tpu.memory_space<vmem>>, vector<1x1x16xf32>,
        %get3A_453 = arith.constant 0 : i32
        %get3A_454 = arith.index_cast %get3A_453 : i32 to index
        %get3A_455 = arith.index_cast %add3A_436 : i32 to index
        %get3A_456 = arith.constant 16 : index
        %get3A_457 = tpu.vector_load %arg6[%get3A_454, %get3A_455, %get3A_456] {strides = array<i32>} : memref<2x1280x32xf32, #tpu.memory_space<vmem>>, vector<1x1x16xf32>,
        %get3A_458 = vector.shape_cast %get3A_457 : vector<1x1x16xf32> to vector<16xf32>
        %mul3A_459 = arith.constant 5.65685415 : f32
        %mul3A_460 = vector.broadcast %mul3A_459 : f32 to vector<16xf32>
        %mul3A_461 = arith.mulf %get3A_458, %mul3A_460 : vector<16xf32>
        %swap3A_462 = arith.constant 0 : i32
        %swap3A_463 = arith.index_cast %swap3A_462 : i32 to index
        %swap3A_464 = arith.index_cast %add3A_436 : i32 to index
        %swap3A_465 = arith.constant 16 : index
        %swap3A_466 = tpu.vector_load %arg6[%swap3A_463, %swap3A_464, %swap3A_465] {strides = array<i32>} : memref<2x1280x32xf32, #tpu.memory_space<vmem>>, vector<1x1x16xf32>,
        %swap3A_467 = vector.shape_cast %swap3A_466 : vector<1x1x16xf32> to vector<16xf32>
        %swap3A_468 = vector.shape_cast %mul3A_461 : vector<16xf32> to vector<1x1x16xf32>
        tpu.vector_store %arg6[%swap3A_463, %swap3A_464, %swap3A_465], %swap3A_468 {strides = array<i32>} : memref<2x1280x32xf32, #tpu.memory_space<vmem>>, vector<1x1x16xf32>,
        %scan3A_469 = arith.constant 6 : i32
        %scan3A_470 = arith.addi %scan3A_244, %scan3A_469 : i32
        %mul3A_471 = arith.constant 1 : i32
        %mul3A_472 = arith.muli %scan3A_470, %mul3A_471 : i32
        %add3A_473 = arith.constant 0 : i32
        %add3A_474 = arith.addi %add3A_473, %mul3A_472 : i32
        %get3A_475 = arith.constant 0 : i32
        %get3A_476 = arith.index_cast %get3A_475 : i32 to index
        %get3A_477 = arith.index_cast %add3A_474 : i32 to index
        %get3A_478 = arith.constant 0 : index
        %get3A_479 = tpu.vector_load %arg6[%get3A_476, %get3A_477, %get3A_478] {strides = array<i32>} : memref<2x1280x32xf32, #tpu.memory_space<vmem>>, vector<1x1x16xf32>,
        %get3A_480 = vector.shape_cast %get3A_479 : vector<1x1x16xf32> to vector<16xf32>
        %mul3A_481 = arith.constant 5.65685415 : f32
        %mul3A_482 = vector.broadcast %mul3A_481 : f32 to vector<16xf32>
        %mul3A_483 = arith.mulf %get3A_480, %mul3A_482 : vector<16xf32>
        %swap3A_484 = arith.constant 0 : i32
        %swap3A_485 = arith.index_cast %swap3A_484 : i32 to index
        %swap3A_486 = arith.index_cast %add3A_474 : i32 to index
        %swap3A_487 = arith.constant 0 : index
        %swap3A_488 = tpu.vector_load %arg6[%swap3A_485, %swap3A_486, %swap3A_487] {strides = array<i32>} : memref<2x1280x32xf32, #tpu.memory_space<vmem>>, vector<1x1x16xf32>,
        %swap3A_489 = vector.shape_cast %swap3A_488 : vector<1x1x16xf32> to vector<16xf32>
        %swap3A_490 = vector.shape_cast %mul3A_483 : vector<16xf32> to vector<1x1x16xf32>
        tpu.vector_store %arg6[%swap3A_485, %swap3A_486, %swap3A_487], %swap3A_490 {strides = array<i32>} : memref<2x1280x32xf32, #tpu.memory_space<vmem>>, vector<1x1x16xf32>,
        %get3A_491 = arith.constant 0 : i32
        %get3A_492 = arith.index_cast %get3A_491 : i32 to index
        %get3A_493 = arith.index_cast %add3A_474 : i32 to index
        %get3A_494 = arith.constant 16 : index
        %get3A_495 = tpu.vector_load %arg6[%get3A_492, %get3A_493, %get3A_494] {strides = array<i32>} : memref<2x1280x32xf32, #tpu.memory_space<vmem>>, vector<1x1x16xf32>,
        %get3A_496 = vector.shape_cast %get3A_495 : vector<1x1x16xf32> to vector<16xf32>
        %mul3A_497 = arith.constant 5.65685415 : f32
        %mul3A_498 = vector.broadcast %mul3A_497 : f32 to vector<16xf32>
        %mul3A_499 = arith.mulf %get3A_496, %mul3A_498 : vector<16xf32>
        %swap3A_500 = arith.constant 0 : i32
        %swap3A_501 = arith.index_cast %swap3A_500 : i32 to index
        %swap3A_502 = arith.index_cast %add3A_474 : i32 to index
        %swap3A_503 = arith.constant 16 : index
        %swap3A_504 = tpu.vector_load %arg6[%swap3A_501, %swap3A_502, %swap3A_503] {strides = array<i32>} : memref<2x1280x32xf32, #tpu.memory_space<vmem>>, vector<1x1x16xf32>,
        %swap3A_505 = vector.shape_cast %swap3A_504 : vector<1x1x16xf32> to vector<16xf32>
        %swap3A_506 = vector.shape_cast %mul3A_499 : vector<16xf32> to vector<1x1x16xf32>
        tpu.vector_store %arg6[%swap3A_501, %swap3A_502, %swap3A_503], %swap3A_506 {strides = array<i32>} : memref<2x1280x32xf32, #tpu.memory_space<vmem>>, vector<1x1x16xf32>,
        %scan3A_507 = arith.constant 7 : i32
        %scan3A_508 = arith.addi %scan3A_244, %scan3A_507 : i32
        %mul3A_509 = arith.constant 1 : i32
        %mul3A_510 = arith.muli %scan3A_508, %mul3A_509 : i32
        %add3A_511 = arith.constant 0 : i32
        %add3A_512 = arith.addi %add3A_511, %mul3A_510 : i32
        %get3A_513 = arith.constant 0 : i32
        %get3A_514 = arith.index_cast %get3A_513 : i32 to index
        %get3A_515 = arith.index_cast %add3A_512 : i32 to index
        %get3A_516 = arith.constant 0 : index
        %get3A_517 = tpu.vector_load %arg6[%get3A_514, %get3A_515, %get3A_516] {strides = array<i32>} : memref<2x1280x32xf32, #tpu.memory_space<vmem>>, vector<1x1x16xf32>,
        %get3A_518 = vector.shape_cast %get3A_517 : vector<1x1x16xf32> to vector<16xf32>
        %mul3A_519 = arith.constant 5.65685415 : f32
        %mul3A_520 = vector.broadcast %mul3A_519 : f32 to vector<16xf32>
        %mul3A_521 = arith.mulf %get3A_518, %mul3A_520 : vector<16xf32>
        %swap3A_522 = arith.constant 0 : i32
        %swap3A_523 = arith.index_cast %swap3A_522 : i32 to index
        %swap3A_524 = arith.index_cast %add3A_512 : i32 to index
        %swap3A_525 = arith.constant 0 : index
        %swap3A_526 = tpu.vector_load %arg6[%swap3A_523, %swap3A_524, %swap3A_525] {strides = array<i32>} : memref<2x1280x32xf32, #tpu.memory_space<vmem>>, vector<1x1x16xf32>,
        %swap3A_527 = vector.shape_cast %swap3A_526 : vector<1x1x16xf32> to vector<16xf32>
        %swap3A_528 = vector.shape_cast %mul3A_521 : vector<16xf32> to vector<1x1x16xf32>
        tpu.vector_store %arg6[%swap3A_523, %swap3A_524, %swap3A_525], %swap3A_528 {strides = array<i32>} : memref<2x1280x32xf32, #tpu.memory_space<vmem>>, vector<1x1x16xf32>,
        %get3A_529 = arith.constant 0 : i32
        %get3A_530 = arith.index_cast %get3A_529 : i32 to index
        %get3A_531 = arith.index_cast %add3A_512 : i32 to index
        %get3A_532 = arith.constant 16 : index
        %get3A_533 = tpu.vector_load %arg6[%get3A_530, %get3A_531, %get3A_532] {strides = array<i32>} : memref<2x1280x32xf32, #tpu.memory_space<vmem>>, vector<1x1x16xf32>,
        %get3A_534 = vector.shape_cast %get3A_533 : vector<1x1x16xf32> to vector<16xf32>
        %mul3A_535 = arith.constant 5.65685415 : f32
        %mul3A_536 = vector.broadcast %mul3A_535 : f32 to vector<16xf32>
        %mul3A_537 = arith.mulf %get3A_534, %mul3A_536 : vector<16xf32>
        %swap3A_538 = arith.constant 0 : i32
        %swap3A_539 = arith.index_cast %swap3A_538 : i32 to index
        %swap3A_540 = arith.index_cast %add3A_512 : i32 to index
        %swap3A_541 = arith.constant 16 : index
        %swap3A_542 = tpu.vector_load %arg6[%swap3A_539, %swap3A_540, %swap3A_541] {strides = array<i32>} : memref<2x1280x32xf32, #tpu.memory_space<vmem>>, vector<1x1x16xf32>,
        %swap3A_543 = vector.shape_cast %swap3A_542 : vector<1x1x16xf32> to vector<16xf32>
        %swap3A_544 = vector.shape_cast %mul3A_537 : vector<16xf32> to vector<1x1x16xf32>
        tpu.vector_store %arg6[%swap3A_539, %swap3A_540, %swap3A_541], %swap3A_544 {strides = array<i32>} : memref<2x1280x32xf32, #tpu.memory_space<vmem>>, vector<1x1x16xf32>,
      }
      %scan3A_139 = arith.constant 1280 : i32
      %mul3A_140 = arith.constant 1280 : i32
      %mul3A_141 = arith.muli %add3A_123, %mul3A_140 : i32
      %add3A_142 = arith.addi %mul3A_2, %mul3A_141 : i32
      %dma_start3A_143 = arith.constant 0 : i32
      %dma_start3A_144 = arith.constant 0 : i32
      %dma_start3A_145 = arith.constant 0 : i32
      %dma_start3A_146 = tpu.memref_slice %arg6[%dma_start3A_143, %dma_start3A_144, %dma_start3A_145] : memref<2x1280x32xf32, #tpu.memory_space<vmem>> -> memref<1x1280x32xf32, #tpu.memory_space<vmem>>
      %dma_start3A_147 = tpu.memref_squeeze %dma_start3A_146 : memref<1x1280x32xf32, #tpu.memory_space<vmem>> -> memref<1280x32xf32, #tpu.memory_space<vmem>>
      %dma_start3A_148 = arith.constant 0 : i32
      %dma_start3A_149 = tpu.memref_slice %arg4[%add3A_142, %dma_start3A_148] : memref<819200x32xf32, #tpu.memory_space<hbm>> -> memref<1280x32xf32, #tpu.memory_space<hbm>>
      %dma_start3A_150 = arith.constant 0 : i32
      %dma_start3A_151 = tpu.memref_slice %arg4[%add3A_142, %dma_start3A_150] : memref<819200x32xf32, #tpu.memory_space<hbm>> -> memref<1280x32xf32, #tpu.memory_space<hbm>>
      %dma_start3A_152 = arith.constant 0 : i32
      %dma_start3A_153 = arith.constant 0 : i32
      %dma_start3A_154 = tpu.memref_slice %arg6[%dma_start3A_143, %dma_start3A_152, %dma_start3A_153] : memref<2x1280x32xf32, #tpu.memory_space<vmem>> -> memref<1x1280x32xf32, #tpu.memory_space<vmem>>
      %dma_start3A_155 = tpu.memref_squeeze %dma_start3A_154 : memref<1x1280x32xf32, #tpu.memory_space<vmem>> -> memref<1280x32xf32, #tpu.memory_space<vmem>>
      tpu.enqueue_dma source(%dma_start3A_155 : memref<1280x32xf32, #tpu.memory_space<vmem>>) target(%dma_start3A_151 : memref<1280x32xf32, #tpu.memory_space<hbm>>) target_semaphore(%arg9 : memref<!tpu.dma_semaphore, #tpu.memory_space<semaphore_mem>>)
      %dma_wait3A_156 = arith.constant 0 : i32
      %dma_wait3A_157 = arith.constant 0 : i32
      %dma_wait3A_158 = arith.constant 0 : i32
      %dma_wait3A_159 = tpu.memref_slice %arg6[%dma_wait3A_156, %dma_wait3A_157, %dma_wait3A_158] : memref<2x1280x32xf32, #tpu.memory_space<vmem>> -> memref<1x1280x32xf32, #tpu.memory_space<vmem>>
      %dma_wait3A_160 = tpu.memref_squeeze %dma_wait3A_159 : memref<1x1280x32xf32, #tpu.memory_space<vmem>> -> memref<1280x32xf32, #tpu.memory_space<vmem>>
      %dma_wait3A_161 = arith.constant 0 : i32
      %dma_wait3A_162 = tpu.memref_slice %arg4[%add3A_142, %dma_wait3A_161] : memref<819200x32xf32, #tpu.memory_space<hbm>> -> memref<1280x32xf32, #tpu.memory_space<hbm>>
      %dma_wait3A_163 = arith.constant 0 : i32
      %dma_wait3A_164 = tpu.memref_slice %arg4[%add3A_142, %dma_wait3A_163] : memref<819200x32xf32, #tpu.memory_space<hbm>> -> memref<1280x32xf32, #tpu.memory_space<hbm>>
      %dma_wait3A_165 = arith.constant 0 : i32
      %dma_wait3A_166 = arith.constant 0 : i32
      %dma_wait3A_167 = tpu.memref_slice %arg6[%dma_wait3A_156, %dma_wait3A_165, %dma_wait3A_166] : memref<2x1280x32xf32, #tpu.memory_space<vmem>> -> memref<1x1280x32xf32, #tpu.memory_space<vmem>>
      %dma_wait3A_168 = tpu.memref_squeeze %dma_wait3A_167 : memref<1x1280x32xf32, #tpu.memory_space<vmem>> -> memref<1280x32xf32, #tpu.memory_space<vmem>>
      tpu.wait_dma2 semaphore(%arg9 : memref<!tpu.dma_semaphore, #tpu.memory_space<semaphore_mem>>) src(%dma_wait3A_168 : memref<1280x32xf32, #tpu.memory_space<vmem>>) dst(%dma_wait3A_164 : memref<1280x32xf32, #tpu.memory_space<hbm>>)
      %add3A_169 = arith.constant 2 : i32
      %add3A_170 = arith.addi %add3A_123, %add3A_169 : i32
      %mul3A_171 = arith.constant 1280 : i32
      %mul3A_172 = arith.muli %add3A_170, %mul3A_171 : i32
      %dma_start3A_173 = arith.constant 0 : i32
      %dma_start3A_174 = arith.constant 0 : i32
      %dma_start3A_175 = arith.constant 0 : i32
      %dma_start3A_176 = tpu.memref_slice %arg6[%dma_start3A_173, %dma_start3A_174, %dma_start3A_175] : memref<2x1280x32xf32, #tpu.memory_space<vmem>> -> memref<1x1280x32xf32, #tpu.memory_space<vmem>>
      %dma_start3A_177 = tpu.memref_squeeze %dma_start3A_176 : memref<1x1280x32xf32, #tpu.memory_space<vmem>> -> memref<1280x32xf32, #tpu.memory_space<vmem>>
      %dma_start3A_178 = tpu.memref_slice %arg5[%mul3A_172] : memref<25600xi32, #tpu.memory_space<vmem>> -> memref<1280xi32, #tpu.memory_space<vmem>>
      %dma_start3A_179 = arith.constant 0 : i32
      %dma_start3A_180 = arith.constant 0 : i32
      %dma_start3A_181 = tpu.memref_slice %arg3[%dma_start3A_179, %dma_start3A_180] : memref<1000000x32xf32, #tpu.memory_space<hbm>> -> memref<1000000x32xf32, #tpu.memory_space<hbm>>
      tpu.enqueue_indirect_dma source(%dma_start3A_181 : memref<1000000x32xf32, #tpu.memory_space<hbm>>) target(%dma_start3A_177 : memref<1280x32xf32, #tpu.memory_space<vmem>>) offsets(%dma_start3A_178 : memref<1280xi32, #tpu.memory_space<vmem>>) semaphore(%arg7 : memref<!tpu.dma_semaphore, #tpu.memory_space<semaphore_mem>>)
      %mul3A_182 = arith.constant 2 : i32
      %mul3A_183 = arith.muli %add3A_119, %mul3A_182 : i32
      %add3A_184 = arith.constant 1 : i32
      %add3A_185 = arith.addi %mul3A_183, %add3A_184 : i32
      %mul3A_186 = arith.constant 1280 : i32
      %mul3A_187 = arith.muli %add3A_185, %mul3A_186 : i32
      %dma_wait3A_188 = arith.constant 1 : i32
      %dma_wait3A_189 = arith.constant 0 : i32
      %dma_wait3A_190 = arith.constant 0 : i32
      %dma_wait3A_191 = tpu.memref_slice %arg6[%dma_wait3A_188, %dma_wait3A_189, %dma_wait3A_190] : memref<2x1280x32xf32, #tpu.memory_space<vmem>> -> memref<1x1280x32xf32, #tpu.memory_space<vmem>>
      %dma_wait3A_192 = tpu.memref_squeeze %dma_wait3A_191 : memref<1x1280x32xf32, #tpu.memory_space<vmem>> -> memref<1280x32xf32, #tpu.memory_space<vmem>>
      %dma_wait3A_193 = tpu.memref_slice %arg5[%mul3A_187] : memref<25600xi32, #tpu.memory_space<vmem>> -> memref<1280xi32, #tpu.memory_space<vmem>>
      %dma_wait3A_194 = arith.constant 0 : i32
      %dma_wait3A_195 = arith.constant 0 : i32
      %dma_wait3A_196 = tpu.memref_slice %arg3[%dma_wait3A_194, %dma_wait3A_195] : memref<1000000x32xf32, #tpu.memory_space<hbm>> -> memref<1000000x32xf32, #tpu.memory_space<hbm>>
      tpu.wait_indirect_dma semaphore(%arg8 : memref<!tpu.dma_semaphore, #tpu.memory_space<semaphore_mem>>) src(%dma_wait3A_196 : memref<1000000x32xf32, #tpu.memory_space<hbm>>) dst(%dma_wait3A_192 : memref<1280x32xf32, #tpu.memory_space<vmem>>)
      %scan3A_197 = arith.constant 0 : i32
      %scan3A_198 = arith.constant 1280 : i32
      %scan3A_199 = arith.addi %scan3A_197, %scan3A_198 : i32
      %scan3A_200 = arith.constant 8 : i32
      scf.for %scan3A_244 = %scan3A_197 to %scan3A_199 step %scan3A_200  : i32 {
        %mul3A_245 = arith.constant 1 : i32
        %mul3A_246 = arith.muli %scan3A_244, %mul3A_245 : i32
        %add3A_247 = arith.constant 0 : i32
        %add3A_248 = arith.addi %add3A_247, %mul3A_246 : i32
        %get3A = arith.constant 1 : i32
        %get3A_249 = arith.index_cast %get3A : i32 to index
        %get3A_250 = arith.index_cast %add3A_248 : i32 to index
        %get3A_251 = arith.constant 0 : index
        %get3A_252 = tpu.vector_load %arg6[%get3A_249, %get3A_250, %get3A_251] {strides = array<i32>} : memref<2x1280x32xf32, #tpu.memory_space<vmem>>, vector<1x1x16xf32>,
        %get3A_253 = vector.shape_cast %get3A_252 : vector<1x1x16xf32> to vector<16xf32>
        %mul3A_254 = arith.constant 5.65685415 : f32
        %mul3A_255 = vector.broadcast %mul3A_254 : f32 to vector<16xf32>
        %mul3A_256 = arith.mulf %get3A_253, %mul3A_255 : vector<16xf32>
        %swap3A = arith.constant 1 : i32
        %swap3A_257 = arith.index_cast %swap3A : i32 to index
        %swap3A_258 = arith.index_cast %add3A_248 : i32 to index
        %swap3A_259 = arith.constant 0 : index
        %swap3A_260 = tpu.vector_load %arg6[%swap3A_257, %swap3A_258, %swap3A_259] {strides = array<i32>} : memref<2x1280x32xf32, #tpu.memory_space<vmem>>, vector<1x1x16xf32>,
        %swap3A_261 = vector.shape_cast %swap3A_260 : vector<1x1x16xf32> to vector<16xf32>
        %swap3A_262 = vector.shape_cast %mul3A_256 : vector<16xf32> to vector<1x1x16xf32>
        tpu.vector_store %arg6[%swap3A_257, %swap3A_258, %swap3A_259], %swap3A_262 {strides = array<i32>} : memref<2x1280x32xf32, #tpu.memory_space<vmem>>, vector<1x1x16xf32>,
        %get3A_263 = arith.constant 1 : i32
        %get3A_264 = arith.index_cast %get3A_263 : i32 to index
        %get3A_265 = arith.index_cast %add3A_248 : i32 to index
        %get3A_266 = arith.constant 16 : index
        %get3A_267 = tpu.vector_load %arg6[%get3A_264, %get3A_265, %get3A_266] {strides = array<i32>} : memref<2x1280x32xf32, #tpu.memory_space<vmem>>, vector<1x1x16xf32>,
        %get3A_268 = vector.shape_cast %get3A_267 : vector<1x1x16xf32> to vector<16xf32>
        %mul3A_269 = arith.constant 5.65685415 : f32
        %mul3A_270 = vector.broadcast %mul3A_269 : f32 to vector<16xf32>
        %mul3A_271 = arith.mulf %get3A_268, %mul3A_270 : vector<16xf32>
        %swap3A_272 = arith.constant 1 : i32
        %swap3A_273 = arith.index_cast %swap3A_272 : i32 to index
        %swap3A_274 = arith.index_cast %add3A_248 : i32 to index
        %swap3A_275 = arith.constant 16 : index
        %swap3A_276 = tpu.vector_load %arg6[%swap3A_273, %swap3A_274, %swap3A_275] {strides = array<i32>} : memref<2x1280x32xf32, #tpu.memory_space<vmem>>, vector<1x1x16xf32>,
        %swap3A_277 = vector.shape_cast %swap3A_276 : vector<1x1x16xf32> to vector<16xf32>
        %swap3A_278 = vector.shape_cast %mul3A_271 : vector<16xf32> to vector<1x1x16xf32>
        tpu.vector_store %arg6[%swap3A_273, %swap3A_274, %swap3A_275], %swap3A_278 {strides = array<i32>} : memref<2x1280x32xf32, #tpu.memory_space<vmem>>, vector<1x1x16xf32>,
        %scan3A_279 = arith.constant 1 : i32
        %scan3A_280 = arith.addi %scan3A_244, %scan3A_279 : i32
        %mul3A_281 = arith.constant 1 : i32
        %mul3A_282 = arith.muli %scan3A_280, %mul3A_281 : i32
        %add3A_283 = arith.constant 0 : i32
        %add3A_284 = arith.addi %add3A_283, %mul3A_282 : i32
        %get3A_285 = arith.constant 1 : i32
        %get3A_286 = arith.index_cast %get3A_285 : i32 to index
        %get3A_287 = arith.index_cast %add3A_284 : i32 to index
        %get3A_288 = arith.constant 0 : index
        %get3A_289 = tpu.vector_load %arg6[%get3A_286, %get3A_287, %get3A_288] {strides = array<i32>} : memref<2x1280x32xf32, #tpu.memory_space<vmem>>, vector<1x1x16xf32>,
        %get3A_290 = vector.shape_cast %get3A_289 : vector<1x1x16xf32> to vector<16xf32>
        %mul3A_291 = arith.constant 5.65685415 : f32
        %mul3A_292 = vector.broadcast %mul3A_291 : f32 to vector<16xf32>
        %mul3A_293 = arith.mulf %get3A_290, %mul3A_292 : vector<16xf32>
        %swap3A_294 = arith.constant 1 : i32
        %swap3A_295 = arith.index_cast %swap3A_294 : i32 to index
        %swap3A_296 = arith.index_cast %add3A_284 : i32 to index
        %swap3A_297 = arith.constant 0 : index
        %swap3A_298 = tpu.vector_load %arg6[%swap3A_295, %swap3A_296, %swap3A_297] {strides = array<i32>} : memref<2x1280x32xf32, #tpu.memory_space<vmem>>, vector<1x1x16xf32>,
        %swap3A_299 = vector.shape_cast %swap3A_298 : vector<1x1x16xf32> to vector<16xf32>
        %swap3A_300 = vector.shape_cast %mul3A_293 : vector<16xf32> to vector<1x1x16xf32>
        tpu.vector_store %arg6[%swap3A_295, %swap3A_296, %swap3A_297], %swap3A_300 {strides = array<i32>} : memref<2x1280x32xf32, #tpu.memory_space<vmem>>, vector<1x1x16xf32>,
        %get3A_301 = arith.constant 1 : i32
        %get3A_302 = arith.index_cast %get3A_301 : i32 to index
        %get3A_303 = arith.index_cast %add3A_284 : i32 to index
        %get3A_304 = arith.constant 16 : index
        %get3A_305 = tpu.vector_load %arg6[%get3A_302, %get3A_303, %get3A_304] {strides = array<i32>} : memref<2x1280x32xf32, #tpu.memory_space<vmem>>, vector<1x1x16xf32>,
        %get3A_306 = vector.shape_cast %get3A_305 : vector<1x1x16xf32> to vector<16xf32>
        %mul3A_307 = arith.constant 5.65685415 : f32
        %mul3A_308 = vector.broadcast %mul3A_307 : f32 to vector<16xf32>
        %mul3A_309 = arith.mulf %get3A_306, %mul3A_308 : vector<16xf32>
        %swap3A_310 = arith.constant 1 : i32
        %swap3A_311 = arith.index_cast %swap3A_310 : i32 to index
        %swap3A_312 = arith.index_cast %add3A_284 : i32 to index
        %swap3A_313 = arith.constant 16 : index
        %swap3A_314 = tpu.vector_load %arg6[%swap3A_311, %swap3A_312, %swap3A_313] {strides = array<i32>} : memref<2x1280x32xf32, #tpu.memory_space<vmem>>, vector<1x1x16xf32>,
        %swap3A_315 = vector.shape_cast %swap3A_314 : vector<1x1x16xf32> to vector<16xf32>
        %swap3A_316 = vector.shape_cast %mul3A_309 : vector<16xf32> to vector<1x1x16xf32>
        tpu.vector_store %arg6[%swap3A_311, %swap3A_312, %swap3A_313], %swap3A_316 {strides = array<i32>} : memref<2x1280x32xf32, #tpu.memory_space<vmem>>, vector<1x1x16xf32>,
        %scan3A_317 = arith.constant 2 : i32
        %scan3A_318 = arith.addi %scan3A_244, %scan3A_317 : i32
        %mul3A_319 = arith.constant 1 : i32
        %mul3A_320 = arith.muli %scan3A_318, %mul3A_319 : i32
        %add3A_321 = arith.constant 0 : i32
        %add3A_322 = arith.addi %add3A_321, %mul3A_320 : i32
        %get3A_323 = arith.constant 1 : i32
        %get3A_324 = arith.index_cast %get3A_323 : i32 to index
        %get3A_325 = arith.index_cast %add3A_322 : i32 to index
        %get3A_326 = arith.constant 0 : index
        %get3A_327 = tpu.vector_load %arg6[%get3A_324, %get3A_325, %get3A_326] {strides = array<i32>} : memref<2x1280x32xf32, #tpu.memory_space<vmem>>, vector<1x1x16xf32>,
        %get3A_328 = vector.shape_cast %get3A_327 : vector<1x1x16xf32> to vector<16xf32>
        %mul3A_329 = arith.constant 5.65685415 : f32
        %mul3A_330 = vector.broadcast %mul3A_329 : f32 to vector<16xf32>
        %mul3A_331 = arith.mulf %get3A_328, %mul3A_330 : vector<16xf32>
        %swap3A_332 = arith.constant 1 : i32
        %swap3A_333 = arith.index_cast %swap3A_332 : i32 to index
        %swap3A_334 = arith.index_cast %add3A_322 : i32 to index
        %swap3A_335 = arith.constant 0 : index
        %swap3A_336 = tpu.vector_load %arg6[%swap3A_333, %swap3A_334, %swap3A_335] {strides = array<i32>} : memref<2x1280x32xf32, #tpu.memory_space<vmem>>, vector<1x1x16xf32>,
        %swap3A_337 = vector.shape_cast %swap3A_336 : vector<1x1x16xf32> to vector<16xf32>
        %swap3A_338 = vector.shape_cast %mul3A_331 : vector<16xf32> to vector<1x1x16xf32>
        tpu.vector_store %arg6[%swap3A_333, %swap3A_334, %swap3A_335], %swap3A_338 {strides = array<i32>} : memref<2x1280x32xf32, #tpu.memory_space<vmem>>, vector<1x1x16xf32>,
        %get3A_339 = arith.constant 1 : i32
        %get3A_340 = arith.index_cast %get3A_339 : i32 to index
        %get3A_341 = arith.index_cast %add3A_322 : i32 to index
        %get3A_342 = arith.constant 16 : index
        %get3A_343 = tpu.vector_load %arg6[%get3A_340, %get3A_341, %get3A_342] {strides = array<i32>} : memref<2x1280x32xf32, #tpu.memory_space<vmem>>, vector<1x1x16xf32>,
        %get3A_344 = vector.shape_cast %get3A_343 : vector<1x1x16xf32> to vector<16xf32>
        %mul3A_345 = arith.constant 5.65685415 : f32
        %mul3A_346 = vector.broadcast %mul3A_345 : f32 to vector<16xf32>
        %mul3A_347 = arith.mulf %get3A_344, %mul3A_346 : vector<16xf32>
        %swap3A_348 = arith.constant 1 : i32
        %swap3A_349 = arith.index_cast %swap3A_348 : i32 to index
        %swap3A_350 = arith.index_cast %add3A_322 : i32 to index
        %swap3A_351 = arith.constant 16 : index
        %swap3A_352 = tpu.vector_load %arg6[%swap3A_349, %swap3A_350, %swap3A_351] {strides = array<i32>} : memref<2x1280x32xf32, #tpu.memory_space<vmem>>, vector<1x1x16xf32>,
        %swap3A_353 = vector.shape_cast %swap3A_352 : vector<1x1x16xf32> to vector<16xf32>
        %swap3A_354 = vector.shape_cast %mul3A_347 : vector<16xf32> to vector<1x1x16xf32>
        tpu.vector_store %arg6[%swap3A_349, %swap3A_350, %swap3A_351], %swap3A_354 {strides = array<i32>} : memref<2x1280x32xf32, #tpu.memory_space<vmem>>, vector<1x1x16xf32>,
        %scan3A_355 = arith.constant 3 : i32
        %scan3A_356 = arith.addi %scan3A_244, %scan3A_355 : i32
        %mul3A_357 = arith.constant 1 : i32
        %mul3A_358 = arith.muli %scan3A_356, %mul3A_357 : i32
        %add3A_359 = arith.constant 0 : i32
        %add3A_360 = arith.addi %add3A_359, %mul3A_358 : i32
        %get3A_361 = arith.constant 1 : i32
        %get3A_362 = arith.index_cast %get3A_361 : i32 to index
        %get3A_363 = arith.index_cast %add3A_360 : i32 to index
        %get3A_364 = arith.constant 0 : index
        %get3A_365 = tpu.vector_load %arg6[%get3A_362, %get3A_363, %get3A_364] {strides = array<i32>} : memref<2x1280x32xf32, #tpu.memory_space<vmem>>, vector<1x1x16xf32>,
        %get3A_366 = vector.shape_cast %get3A_365 : vector<1x1x16xf32> to vector<16xf32>
        %mul3A_367 = arith.constant 5.65685415 : f32
        %mul3A_368 = vector.broadcast %mul3A_367 : f32 to vector<16xf32>
        %mul3A_369 = arith.mulf %get3A_366, %mul3A_368 : vector<16xf32>
        %swap3A_370 = arith.constant 1 : i32
        %swap3A_371 = arith.index_cast %swap3A_370 : i32 to index
        %swap3A_372 = arith.index_cast %add3A_360 : i32 to index
        %swap3A_373 = arith.constant 0 : index
        %swap3A_374 = tpu.vector_load %arg6[%swap3A_371, %swap3A_372, %swap3A_373] {strides = array<i32>} : memref<2x1280x32xf32, #tpu.memory_space<vmem>>, vector<1x1x16xf32>,
        %swap3A_375 = vector.shape_cast %swap3A_374 : vector<1x1x16xf32> to vector<16xf32>
        %swap3A_376 = vector.shape_cast %mul3A_369 : vector<16xf32> to vector<1x1x16xf32>
        tpu.vector_store %arg6[%swap3A_371, %swap3A_372, %swap3A_373], %swap3A_376 {strides = array<i32>} : memref<2x1280x32xf32, #tpu.memory_space<vmem>>, vector<1x1x16xf32>,
        %get3A_377 = arith.constant 1 : i32
        %get3A_378 = arith.index_cast %get3A_377 : i32 to index
        %get3A_379 = arith.index_cast %add3A_360 : i32 to index
        %get3A_380 = arith.constant 16 : index
        %get3A_381 = tpu.vector_load %arg6[%get3A_378, %get3A_379, %get3A_380] {strides = array<i32>} : memref<2x1280x32xf32, #tpu.memory_space<vmem>>, vector<1x1x16xf32>,
        %get3A_382 = vector.shape_cast %get3A_381 : vector<1x1x16xf32> to vector<16xf32>
        %mul3A_383 = arith.constant 5.65685415 : f32
        %mul3A_384 = vector.broadcast %mul3A_383 : f32 to vector<16xf32>
        %mul3A_385 = arith.mulf %get3A_382, %mul3A_384 : vector<16xf32>
        %swap3A_386 = arith.constant 1 : i32
        %swap3A_387 = arith.index_cast %swap3A_386 : i32 to index
        %swap3A_388 = arith.index_cast %add3A_360 : i32 to index
        %swap3A_389 = arith.constant 16 : index
        %swap3A_390 = tpu.vector_load %arg6[%swap3A_387, %swap3A_388, %swap3A_389] {strides = array<i32>} : memref<2x1280x32xf32, #tpu.memory_space<vmem>>, vector<1x1x16xf32>,
        %swap3A_391 = vector.shape_cast %swap3A_390 : vector<1x1x16xf32> to vector<16xf32>
        %swap3A_392 = vector.shape_cast %mul3A_385 : vector<16xf32> to vector<1x1x16xf32>
        tpu.vector_store %arg6[%swap3A_387, %swap3A_388, %swap3A_389], %swap3A_392 {strides = array<i32>} : memref<2x1280x32xf32, #tpu.memory_space<vmem>>, vector<1x1x16xf32>,
        %scan3A_393 = arith.constant 4 : i32
        %scan3A_394 = arith.addi %scan3A_244, %scan3A_393 : i32
        %mul3A_395 = arith.constant 1 : i32
        %mul3A_396 = arith.muli %scan3A_394, %mul3A_395 : i32
        %add3A_397 = arith.constant 0 : i32
        %add3A_398 = arith.addi %add3A_397, %mul3A_396 : i32
        %get3A_399 = arith.constant 1 : i32
        %get3A_400 = arith.index_cast %get3A_399 : i32 to index
        %get3A_401 = arith.index_cast %add3A_398 : i32 to index
        %get3A_402 = arith.constant 0 : index
        %get3A_403 = tpu.vector_load %arg6[%get3A_400, %get3A_401, %get3A_402] {strides = array<i32>} : memref<2x1280x32xf32, #tpu.memory_space<vmem>>, vector<1x1x16xf32>,
        %get3A_404 = vector.shape_cast %get3A_403 : vector<1x1x16xf32> to vector<16xf32>
        %mul3A_405 = arith.constant 5.65685415 : f32
        %mul3A_406 = vector.broadcast %mul3A_405 : f32 to vector<16xf32>
        %mul3A_407 = arith.mulf %get3A_404, %mul3A_406 : vector<16xf32>
        %swap3A_408 = arith.constant 1 : i32
        %swap3A_409 = arith.index_cast %swap3A_408 : i32 to index
        %swap3A_410 = arith.index_cast %add3A_398 : i32 to index
        %swap3A_411 = arith.constant 0 : index
        %swap3A_412 = tpu.vector_load %arg6[%swap3A_409, %swap3A_410, %swap3A_411] {strides = array<i32>} : memref<2x1280x32xf32, #tpu.memory_space<vmem>>, vector<1x1x16xf32>,
        %swap3A_413 = vector.shape_cast %swap3A_412 : vector<1x1x16xf32> to vector<16xf32>
        %swap3A_414 = vector.shape_cast %mul3A_407 : vector<16xf32> to vector<1x1x16xf32>
        tpu.vector_store %arg6[%swap3A_409, %swap3A_410, %swap3A_411], %swap3A_414 {strides = array<i32>} : memref<2x1280x32xf32, #tpu.memory_space<vmem>>, vector<1x1x16xf32>,
        %get3A_415 = arith.constant 1 : i32
        %get3A_416 = arith.index_cast %get3A_415 : i32 to index
        %get3A_417 = arith.index_cast %add3A_398 : i32 to index
        %get3A_418 = arith.constant 16 : index
        %get3A_419 = tpu.vector_load %arg6[%get3A_416, %get3A_417, %get3A_418] {strides = array<i32>} : memref<2x1280x32xf32, #tpu.memory_space<vmem>>, vector<1x1x16xf32>,
        %get3A_420 = vector.shape_cast %get3A_419 : vector<1x1x16xf32> to vector<16xf32>
        %mul3A_421 = arith.constant 5.65685415 : f32
        %mul3A_422 = vector.broadcast %mul3A_421 : f32 to vector<16xf32>
        %mul3A_423 = arith.mulf %get3A_420, %mul3A_422 : vector<16xf32>
        %swap3A_424 = arith.constant 1 : i32
        %swap3A_425 = arith.index_cast %swap3A_424 : i32 to index
        %swap3A_426 = arith.index_cast %add3A_398 : i32 to index
        %swap3A_427 = arith.constant 16 : index
        %swap3A_428 = tpu.vector_load %arg6[%swap3A_425, %swap3A_426, %swap3A_427] {strides = array<i32>} : memref<2x1280x32xf32, #tpu.memory_space<vmem>>, vector<1x1x16xf32>,
        %swap3A_429 = vector.shape_cast %swap3A_428 : vector<1x1x16xf32> to vector<16xf32>
        %swap3A_430 = vector.shape_cast %mul3A_423 : vector<16xf32> to vector<1x1x16xf32>
        tpu.vector_store %arg6[%swap3A_425, %swap3A_426, %swap3A_427], %swap3A_430 {strides = array<i32>} : memref<2x1280x32xf32, #tpu.memory_space<vmem>>, vector<1x1x16xf32>,
        %scan3A_431 = arith.constant 5 : i32
        %scan3A_432 = arith.addi %scan3A_244, %scan3A_431 : i32
        %mul3A_433 = arith.constant 1 : i32
        %mul3A_434 = arith.muli %scan3A_432, %mul3A_433 : i32
        %add3A_435 = arith.constant 0 : i32
        %add3A_436 = arith.addi %add3A_435, %mul3A_434 : i32
        %get3A_437 = arith.constant 1 : i32
        %get3A_438 = arith.index_cast %get3A_437 : i32 to index
        %get3A_439 = arith.index_cast %add3A_436 : i32 to index
        %get3A_440 = arith.constant 0 : index
        %get3A_441 = tpu.vector_load %arg6[%get3A_438, %get3A_439, %get3A_440] {strides = array<i32>} : memref<2x1280x32xf32, #tpu.memory_space<vmem>>, vector<1x1x16xf32>,
        %get3A_442 = vector.shape_cast %get3A_441 : vector<1x1x16xf32> to vector<16xf32>
        %mul3A_443 = arith.constant 5.65685415 : f32
        %mul3A_444 = vector.broadcast %mul3A_443 : f32 to vector<16xf32>
        %mul3A_445 = arith.mulf %get3A_442, %mul3A_444 : vector<16xf32>
        %swap3A_446 = arith.constant 1 : i32
        %swap3A_447 = arith.index_cast %swap3A_446 : i32 to index
        %swap3A_448 = arith.index_cast %add3A_436 : i32 to index
        %swap3A_449 = arith.constant 0 : index
        %swap3A_450 = tpu.vector_load %arg6[%swap3A_447, %swap3A_448, %swap3A_449] {strides = array<i32>} : memref<2x1280x32xf32, #tpu.memory_space<vmem>>, vector<1x1x16xf32>,
        %swap3A_451 = vector.shape_cast %swap3A_450 : vector<1x1x16xf32> to vector<16xf32>
        %swap3A_452 = vector.shape_cast %mul3A_445 : vector<16xf32> to vector<1x1x16xf32>
        tpu.vector_store %arg6[%swap3A_447, %swap3A_448, %swap3A_449], %swap3A_452 {strides = array<i32>} : memref<2x1280x32xf32, #tpu.memory_space<vmem>>, vector<1x1x16xf32>,
        %get3A_453 = arith.constant 1 : i32
        %get3A_454 = arith.index_cast %get3A_453 : i32 to index
        %get3A_455 = arith.index_cast %add3A_436 : i32 to index
        %get3A_456 = arith.constant 16 : index
        %get3A_457 = tpu.vector_load %arg6[%get3A_454, %get3A_455, %get3A_456] {strides = array<i32>} : memref<2x1280x32xf32, #tpu.memory_space<vmem>>, vector<1x1x16xf32>,
        %get3A_458 = vector.shape_cast %get3A_457 : vector<1x1x16xf32> to vector<16xf32>
        %mul3A_459 = arith.constant 5.65685415 : f32
        %mul3A_460 = vector.broadcast %mul3A_459 : f32 to vector<16xf32>
        %mul3A_461 = arith.mulf %get3A_458, %mul3A_460 : vector<16xf32>
        %swap3A_462 = arith.constant 1 : i32
        %swap3A_463 = arith.index_cast %swap3A_462 : i32 to index
        %swap3A_464 = arith.index_cast %add3A_436 : i32 to index
        %swap3A_465 = arith.constant 16 : index
        %swap3A_466 = tpu.vector_load %arg6[%swap3A_463, %swap3A_464, %swap3A_465] {strides = array<i32>} : memref<2x1280x32xf32, #tpu.memory_space<vmem>>, vector<1x1x16xf32>,
        %swap3A_467 = vector.shape_cast %swap3A_466 : vector<1x1x16xf32> to vector<16xf32>
        %swap3A_468 = vector.shape_cast %mul3A_461 : vector<16xf32> to vector<1x1x16xf32>
        tpu.vector_store %arg6[%swap3A_463, %swap3A_464, %swap3A_465], %swap3A_468 {strides = array<i32>} : memref<2x1280x32xf32, #tpu.memory_space<vmem>>, vector<1x1x16xf32>,
        %scan3A_469 = arith.constant 6 : i32
        %scan3A_470 = arith.addi %scan3A_244, %scan3A_469 : i32
        %mul3A_471 = arith.constant 1 : i32
        %mul3A_472 = arith.muli %scan3A_470, %mul3A_471 : i32
        %add3A_473 = arith.constant 0 : i32
        %add3A_474 = arith.addi %add3A_473, %mul3A_472 : i32
        %get3A_475 = arith.constant 1 : i32
        %get3A_476 = arith.index_cast %get3A_475 : i32 to index
        %get3A_477 = arith.index_cast %add3A_474 : i32 to index
        %get3A_478 = arith.constant 0 : index
        %get3A_479 = tpu.vector_load %arg6[%get3A_476, %get3A_477, %get3A_478] {strides = array<i32>} : memref<2x1280x32xf32, #tpu.memory_space<vmem>>, vector<1x1x16xf32>,
        %get3A_480 = vector.shape_cast %get3A_479 : vector<1x1x16xf32> to vector<16xf32>
        %mul3A_481 = arith.constant 5.65685415 : f32
        %mul3A_482 = vector.broadcast %mul3A_481 : f32 to vector<16xf32>
        %mul3A_483 = arith.mulf %get3A_480, %mul3A_482 : vector<16xf32>
        %swap3A_484 = arith.constant 1 : i32
        %swap3A_485 = arith.index_cast %swap3A_484 : i32 to index
        %swap3A_486 = arith.index_cast %add3A_474 : i32 to index
        %swap3A_487 = arith.constant 0 : index
        %swap3A_488 = tpu.vector_load %arg6[%swap3A_485, %swap3A_486, %swap3A_487] {strides = array<i32>} : memref<2x1280x32xf32, #tpu.memory_space<vmem>>, vector<1x1x16xf32>,
        %swap3A_489 = vector.shape_cast %swap3A_488 : vector<1x1x16xf32> to vector<16xf32>
        %swap3A_490 = vector.shape_cast %mul3A_483 : vector<16xf32> to vector<1x1x16xf32>
        tpu.vector_store %arg6[%swap3A_485, %swap3A_486, %swap3A_487], %swap3A_490 {strides = array<i32>} : memref<2x1280x32xf32, #tpu.memory_space<vmem>>, vector<1x1x16xf32>,
        %get3A_491 = arith.constant 1 : i32
        %get3A_492 = arith.index_cast %get3A_491 : i32 to index
        %get3A_493 = arith.index_cast %add3A_474 : i32 to index
        %get3A_494 = arith.constant 16 : index
        %get3A_495 = tpu.vector_load %arg6[%get3A_492, %get3A_493, %get3A_494] {strides = array<i32>} : memref<2x1280x32xf32, #tpu.memory_space<vmem>>, vector<1x1x16xf32>,
        %get3A_496 = vector.shape_cast %get3A_495 : vector<1x1x16xf32> to vector<16xf32>
        %mul3A_497 = arith.constant 5.65685415 : f32
        %mul3A_498 = vector.broadcast %mul3A_497 : f32 to vector<16xf32>
        %mul3A_499 = arith.mulf %get3A_496, %mul3A_498 : vector<16xf32>
        %swap3A_500 = arith.constant 1 : i32
        %swap3A_501 = arith.index_cast %swap3A_500 : i32 to index
        %swap3A_502 = arith.index_cast %add3A_474 : i32 to index
        %swap3A_503 = arith.constant 16 : index
        %swap3A_504 = tpu.vector_load %arg6[%swap3A_501, %swap3A_502, %swap3A_503] {strides = array<i32>} : memref<2x1280x32xf32, #tpu.memory_space<vmem>>, vector<1x1x16xf32>,
        %swap3A_505 = vector.shape_cast %swap3A_504 : vector<1x1x16xf32> to vector<16xf32>
        %swap3A_506 = vector.shape_cast %mul3A_499 : vector<16xf32> to vector<1x1x16xf32>
        tpu.vector_store %arg6[%swap3A_501, %swap3A_502, %swap3A_503], %swap3A_506 {strides = array<i32>} : memref<2x1280x32xf32, #tpu.memory_space<vmem>>, vector<1x1x16xf32>,
        %scan3A_507 = arith.constant 7 : i32
        %scan3A_508 = arith.addi %scan3A_244, %scan3A_507 : i32
        %mul3A_509 = arith.constant 1 : i32
        %mul3A_510 = arith.muli %scan3A_508, %mul3A_509 : i32
        %add3A_511 = arith.constant 0 : i32
        %add3A_512 = arith.addi %add3A_511, %mul3A_510 : i32
        %get3A_513 = arith.constant 1 : i32
        %get3A_514 = arith.index_cast %get3A_513 : i32 to index
        %get3A_515 = arith.index_cast %add3A_512 : i32 to index
        %get3A_516 = arith.constant 0 : index
        %get3A_517 = tpu.vector_load %arg6[%get3A_514, %get3A_515, %get3A_516] {strides = array<i32>} : memref<2x1280x32xf32, #tpu.memory_space<vmem>>, vector<1x1x16xf32>,
        %get3A_518 = vector.shape_cast %get3A_517 : vector<1x1x16xf32> to vector<16xf32>
        %mul3A_519 = arith.constant 5.65685415 : f32
        %mul3A_520 = vector.broadcast %mul3A_519 : f32 to vector<16xf32>
        %mul3A_521 = arith.mulf %get3A_518, %mul3A_520 : vector<16xf32>
        %swap3A_522 = arith.constant 1 : i32
        %swap3A_523 = arith.index_cast %swap3A_522 : i32 to index
        %swap3A_524 = arith.index_cast %add3A_512 : i32 to index
        %swap3A_525 = arith.constant 0 : index
        %swap3A_526 = tpu.vector_load %arg6[%swap3A_523, %swap3A_524, %swap3A_525] {strides = array<i32>} : memref<2x1280x32xf32, #tpu.memory_space<vmem>>, vector<1x1x16xf32>,
        %swap3A_527 = vector.shape_cast %swap3A_526 : vector<1x1x16xf32> to vector<16xf32>
        %swap3A_528 = vector.shape_cast %mul3A_521 : vector<16xf32> to vector<1x1x16xf32>
        tpu.vector_store %arg6[%swap3A_523, %swap3A_524, %swap3A_525], %swap3A_528 {strides = array<i32>} : memref<2x1280x32xf32, #tpu.memory_space<vmem>>, vector<1x1x16xf32>,
        %get3A_529 = arith.constant 1 : i32
        %get3A_530 = arith.index_cast %get3A_529 : i32 to index
        %get3A_531 = arith.index_cast %add3A_512 : i32 to index
        %get3A_532 = arith.constant 16 : index
        %get3A_533 = tpu.vector_load %arg6[%get3A_530, %get3A_531, %get3A_532] {strides = array<i32>} : memref<2x1280x32xf32, #tpu.memory_space<vmem>>, vector<1x1x16xf32>,
        %get3A_534 = vector.shape_cast %get3A_533 : vector<1x1x16xf32> to vector<16xf32>
        %mul3A_535 = arith.constant 5.65685415 : f32
        %mul3A_536 = vector.broadcast %mul3A_535 : f32 to vector<16xf32>
        %mul3A_537 = arith.mulf %get3A_534, %mul3A_536 : vector<16xf32>
        %swap3A_538 = arith.constant 1 : i32
        %swap3A_539 = arith.index_cast %swap3A_538 : i32 to index
        %swap3A_540 = arith.index_cast %add3A_512 : i32 to index
        %swap3A_541 = arith.constant 16 : index
        %swap3A_542 = tpu.vector_load %arg6[%swap3A_539, %swap3A_540, %swap3A_541] {strides = array<i32>} : memref<2x1280x32xf32, #tpu.memory_space<vmem>>, vector<1x1x16xf32>,
        %swap3A_543 = vector.shape_cast %swap3A_542 : vector<1x1x16xf32> to vector<16xf32>
        %swap3A_544 = vector.shape_cast %mul3A_537 : vector<16xf32> to vector<1x1x16xf32>
        tpu.vector_store %arg6[%swap3A_539, %swap3A_540, %swap3A_541], %swap3A_544 {strides = array<i32>} : memref<2x1280x32xf32, #tpu.memory_space<vmem>>, vector<1x1x16xf32>,
      }
      %scan3A_201 = arith.constant 1280 : i32
      %mul3A_202 = arith.constant 1280 : i32
      %mul3A_203 = arith.muli %add3A_185, %mul3A_202 : i32
      %add3A_204 = arith.addi %mul3A_2, %mul3A_203 : i32
      %dma_start3A_205 = arith.constant 1 : i32
      %dma_start3A_206 = arith.constant 0 : i32
      %dma_start3A_207 = arith.constant 0 : i32
      %dma_start3A_208 = tpu.memref_slice %arg6[%dma_start3A_205, %dma_start3A_206, %dma_start3A_207] : memref<2x1280x32xf32, #tpu.memory_space<vmem>> -> memref<1x1280x32xf32, #tpu.memory_space<vmem>>
      %dma_start3A_209 = tpu.memref_squeeze %dma_start3A_208 : memref<1x1280x32xf32, #tpu.memory_space<vmem>> -> memref<1280x32xf32, #tpu.memory_space<vmem>>
      %dma_start3A_210 = arith.constant 0 : i32
      %dma_start3A_211 = tpu.memref_slice %arg4[%add3A_204, %dma_start3A_210] : memref<819200x32xf32, #tpu.memory_space<hbm>> -> memref<1280x32xf32, #tpu.memory_space<hbm>>
      %dma_start3A_212 = arith.constant 0 : i32
      %dma_start3A_213 = tpu.memref_slice %arg4[%add3A_204, %dma_start3A_212] : memref<819200x32xf32, #tpu.memory_space<hbm>> -> memref<1280x32xf32, #tpu.memory_space<hbm>>
      %dma_start3A_214 = arith.constant 0 : i32
      %dma_start3A_215 = arith.constant 0 : i32
      %dma_start3A_216 = tpu.memref_slice %arg6[%dma_start3A_205, %dma_start3A_214, %dma_start3A_215] : memref<2x1280x32xf32, #tpu.memory_space<vmem>> -> memref<1x1280x32xf32, #tpu.memory_space<vmem>>
      %dma_start3A_217 = tpu.memref_squeeze %dma_start3A_216 : memref<1x1280x32xf32, #tpu.memory_space<vmem>> -> memref<1280x32xf32, #tpu.memory_space<vmem>>
      tpu.enqueue_dma source(%dma_start3A_217 : memref<1280x32xf32, #tpu.memory_space<vmem>>) target(%dma_start3A_213 : memref<1280x32xf32, #tpu.memory_space<hbm>>) target_semaphore(%arg10 : memref<!tpu.dma_semaphore, #tpu.memory_space<semaphore_mem>>)
      %dma_wait3A_218 = arith.constant 1 : i32
      %dma_wait3A_219 = arith.constant 0 : i32
      %dma_wait3A_220 = arith.constant 0 : i32
      %dma_wait3A_221 = tpu.memref_slice %arg6[%dma_wait3A_218, %dma_wait3A_219, %dma_wait3A_220] : memref<2x1280x32xf32, #tpu.memory_space<vmem>> -> memref<1x1280x32xf32, #tpu.memory_space<vmem>>
      %dma_wait3A_222 = tpu.memref_squeeze %dma_wait3A_221 : memref<1x1280x32xf32, #tpu.memory_space<vmem>> -> memref<1280x32xf32, #tpu.memory_space<vmem>>
      %dma_wait3A_223 = arith.constant 0 : i32
      %dma_wait3A_224 = tpu.memref_slice %arg4[%add3A_204, %dma_wait3A_223] : memref<819200x32xf32, #tpu.memory_space<hbm>> -> memref<1280x32xf32, #tpu.memory_space<hbm>>
      %dma_wait3A_225 = arith.constant 0 : i32
      %dma_wait3A_226 = tpu.memref_slice %arg4[%add3A_204, %dma_wait3A_225] : memref<819200x32xf32, #tpu.memory_space<hbm>> -> memref<1280x32xf32, #tpu.memory_space<hbm>>
      %dma_wait3A_227 = arith.constant 0 : i32
      %dma_wait3A_228 = arith.constant 0 : i32
      %dma_wait3A_229 = tpu.memref_slice %arg6[%dma_wait3A_218, %dma_wait3A_227, %dma_wait3A_228] : memref<2x1280x32xf32, #tpu.memory_space<vmem>> -> memref<1x1280x32xf32, #tpu.memory_space<vmem>>
      %dma_wait3A_230 = tpu.memref_squeeze %dma_wait3A_229 : memref<1x1280x32xf32, #tpu.memory_space<vmem>> -> memref<1280x32xf32, #tpu.memory_space<vmem>>
      tpu.wait_dma2 semaphore(%arg10 : memref<!tpu.dma_semaphore, #tpu.memory_space<semaphore_mem>>) src(%dma_wait3A_230 : memref<1280x32xf32, #tpu.memory_space<vmem>>) dst(%dma_wait3A_226 : memref<1280x32xf32, #tpu.memory_space<hbm>>)
      %add3A_231 = arith.constant 2 : i32
      %add3A_232 = arith.addi %add3A_185, %add3A_231 : i32
      %mul3A_233 = arith.constant 1280 : i32
      %mul3A_234 = arith.muli %add3A_232, %mul3A_233 : i32
      %dma_start3A_235 = arith.constant 1 : i32
      %dma_start3A_236 = arith.constant 0 : i32
      %dma_start3A_237 = arith.constant 0 : i32
      %dma_start3A_238 = tpu.memref_slice %arg6[%dma_start3A_235, %dma_start3A_236, %dma_start3A_237] : memref<2x1280x32xf32, #tpu.memory_space<vmem>> -> memref<1x1280x32xf32, #tpu.memory_space<vmem>>
      %dma_start3A_239 = tpu.memref_squeeze %dma_start3A_238 : memref<1x1280x32xf32, #tpu.memory_space<vmem>> -> memref<1280x32xf32, #tpu.memory_space<vmem>>
      %dma_start3A_240 = tpu.memref_slice %arg5[%mul3A_234] : memref<25600xi32, #tpu.memory_space<vmem>> -> memref<1280xi32, #tpu.memory_space<vmem>>
      %dma_start3A_241 = arith.constant 0 : i32
      %dma_start3A_242 = arith.constant 0 : i32
      %dma_start3A_243 = tpu.memref_slice %arg3[%dma_start3A_241, %dma_start3A_242] : memref<1000000x32xf32, #tpu.memory_space<hbm>> -> memref<1000000x32xf32, #tpu.memory_space<hbm>>
      tpu.enqueue_indirect_dma source(%dma_start3A_243 : memref<1000000x32xf32, #tpu.memory_space<hbm>>) target(%dma_start3A_239 : memref<1280x32xf32, #tpu.memory_space<vmem>>) offsets(%dma_start3A_240 : memref<1280xi32, #tpu.memory_space<vmem>>) semaphore(%arg8 : memref<!tpu.dma_semaphore, #tpu.memory_space<semaphore_mem>>)
    }
    %scan3A_25 = arith.constant 9 : i32
    %dma_wait3A = arith.constant 0 : i32
    %dma_wait3A_26 = arith.constant 0 : i32
    %dma_wait3A_27 = arith.constant 0 : i32
    %dma_wait3A_28 = tpu.memref_slice %arg6[%dma_wait3A, %dma_wait3A_26, %dma_wait3A_27] : memref<2x1280x32xf32, #tpu.memory_space<vmem>> -> memref<1x1280x32xf32, #tpu.memory_space<vmem>>
    %dma_wait3A_29 = tpu.memref_squeeze %dma_wait3A_28 : memref<1x1280x32xf32, #tpu.memory_space<vmem>> -> memref<1280x32xf32, #tpu.memory_space<vmem>>
    %dma_wait3A_30 = arith.constant 23040 : i32
    %dma_wait3A_31 = tpu.memref_slice %arg5[%dma_wait3A_30] : memref<25600xi32, #tpu.memory_space<vmem>> -> memref<1280xi32, #tpu.memory_space<vmem>>
    %dma_wait3A_32 = arith.constant 0 : i32
    %dma_wait3A_33 = arith.constant 0 : i32
    %dma_wait3A_34 = tpu.memref_slice %arg3[%dma_wait3A_32, %dma_wait3A_33] : memref<1000000x32xf32, #tpu.memory_space<hbm>> -> memref<1000000x32xf32, #tpu.memory_space<hbm>>
    tpu.wait_indirect_dma semaphore(%arg7 : memref<!tpu.dma_semaphore, #tpu.memory_space<semaphore_mem>>) src(%dma_wait3A_34 : memref<1000000x32xf32, #tpu.memory_space<hbm>>) dst(%dma_wait3A_29 : memref<1280x32xf32, #tpu.memory_space<vmem>>)
    %scan3A_35 = arith.constant 0 : i32
    %scan3A_36 = arith.constant 1280 : i32
    %scan3A_37 = arith.addi %scan3A_35, %scan3A_36 : i32
    %scan3A_38 = arith.constant 8 : i32
    scf.for %scan3A_115 = %scan3A_35 to %scan3A_37 step %scan3A_38  : i32 {
      %mul3A_116 = arith.constant 1 : i32
      %mul3A_117 = arith.muli %scan3A_115, %mul3A_116 : i32
      %add3A_118 = arith.constant 0 : i32
      %add3A_119 = arith.addi %add3A_118, %mul3A_117 : i32
      %get3A = arith.constant 0 : i32
      %get3A_120 = arith.index_cast %get3A : i32 to index
      %get3A_121 = arith.index_cast %add3A_119 : i32 to index
      %get3A_122 = arith.constant 0 : index
      %get3A_123 = tpu.vector_load %arg6[%get3A_120, %get3A_121, %get3A_122] {strides = array<i32>} : memref<2x1280x32xf32, #tpu.memory_space<vmem>>, vector<1x1x16xf32>,
      %get3A_124 = vector.shape_cast %get3A_123 : vector<1x1x16xf32> to vector<16xf32>
      %mul3A_125 = arith.constant 5.65685415 : f32
      %mul3A_126 = vector.broadcast %mul3A_125 : f32 to vector<16xf32>
      %mul3A_127 = arith.mulf %get3A_124, %mul3A_126 : vector<16xf32>
      %swap3A = arith.constant 0 : i32
      %swap3A_128 = arith.index_cast %swap3A : i32 to index
      %swap3A_129 = arith.index_cast %add3A_119 : i32 to index
      %swap3A_130 = arith.constant 0 : index
      %swap3A_131 = tpu.vector_load %arg6[%swap3A_128, %swap3A_129, %swap3A_130] {strides = array<i32>} : memref<2x1280x32xf32, #tpu.memory_space<vmem>>, vector<1x1x16xf32>,
      %swap3A_132 = vector.shape_cast %swap3A_131 : vector<1x1x16xf32> to vector<16xf32>
      %swap3A_133 = vector.shape_cast %mul3A_127 : vector<16xf32> to vector<1x1x16xf32>
      tpu.vector_store %arg6[%swap3A_128, %swap3A_129, %swap3A_130], %swap3A_133 {strides = array<i32>} : memref<2x1280x32xf32, #tpu.memory_space<vmem>>, vector<1x1x16xf32>,
      %get3A_134 = arith.constant 0 : i32
      %get3A_135 = arith.index_cast %get3A_134 : i32 to index
      %get3A_136 = arith.index_cast %add3A_119 : i32 to index
      %get3A_137 = arith.constant 16 : index
      %get3A_138 = tpu.vector_load %arg6[%get3A_135, %get3A_136, %get3A_137] {strides = array<i32>} : memref<2x1280x32xf32, #tpu.memory_space<vmem>>, vector<1x1x16xf32>,
      %get3A_139 = vector.shape_cast %get3A_138 : vector<1x1x16xf32> to vector<16xf32>
      %mul3A_140 = arith.constant 5.65685415 : f32
      %mul3A_141 = vector.broadcast %mul3A_140 : f32 to vector<16xf32>
      %mul3A_142 = arith.mulf %get3A_139, %mul3A_141 : vector<16xf32>
      %swap3A_143 = arith.constant 0 : i32
      %swap3A_144 = arith.index_cast %swap3A_143 : i32 to index
      %swap3A_145 = arith.index_cast %add3A_119 : i32 to index
      %swap3A_146 = arith.constant 16 : index
      %swap3A_147 = tpu.vector_load %arg6[%swap3A_144, %swap3A_145, %swap3A_146] {strides = array<i32>} : memref<2x1280x32xf32, #tpu.memory_space<vmem>>, vector<1x1x16xf32>,
      %swap3A_148 = vector.shape_cast %swap3A_147 : vector<1x1x16xf32> to vector<16xf32>
      %swap3A_149 = vector.shape_cast %mul3A_142 : vector<16xf32> to vector<1x1x16xf32>
      tpu.vector_store %arg6[%swap3A_144, %swap3A_145, %swap3A_146], %swap3A_149 {strides = array<i32>} : memref<2x1280x32xf32, #tpu.memory_space<vmem>>, vector<1x1x16xf32>,
      %scan3A_150 = arith.constant 1 : i32
      %scan3A_151 = arith.addi %scan3A_115, %scan3A_150 : i32
      %mul3A_152 = arith.constant 1 : i32
      %mul3A_153 = arith.muli %scan3A_151, %mul3A_152 : i32
      %add3A_154 = arith.constant 0 : i32
      %add3A_155 = arith.addi %add3A_154, %mul3A_153 : i32
      %get3A_156 = arith.constant 0 : i32
      %get3A_157 = arith.index_cast %get3A_156 : i32 to index
      %get3A_158 = arith.index_cast %add3A_155 : i32 to index
      %get3A_159 = arith.constant 0 : index
      %get3A_160 = tpu.vector_load %arg6[%get3A_157, %get3A_158, %get3A_159] {strides = array<i32>} : memref<2x1280x32xf32, #tpu.memory_space<vmem>>, vector<1x1x16xf32>,
      %get3A_161 = vector.shape_cast %get3A_160 : vector<1x1x16xf32> to vector<16xf32>
      %mul3A_162 = arith.constant 5.65685415 : f32
      %mul3A_163 = vector.broadcast %mul3A_162 : f32 to vector<16xf32>
      %mul3A_164 = arith.mulf %get3A_161, %mul3A_163 : vector<16xf32>
      %swap3A_165 = arith.constant 0 : i32
      %swap3A_166 = arith.index_cast %swap3A_165 : i32 to index
      %swap3A_167 = arith.index_cast %add3A_155 : i32 to index
      %swap3A_168 = arith.constant 0 : index
      %swap3A_169 = tpu.vector_load %arg6[%swap3A_166, %swap3A_167, %swap3A_168] {strides = array<i32>} : memref<2x1280x32xf32, #tpu.memory_space<vmem>>, vector<1x1x16xf32>,
      %swap3A_170 = vector.shape_cast %swap3A_169 : vector<1x1x16xf32> to vector<16xf32>
      %swap3A_171 = vector.shape_cast %mul3A_164 : vector<16xf32> to vector<1x1x16xf32>
      tpu.vector_store %arg6[%swap3A_166, %swap3A_167, %swap3A_168], %swap3A_171 {strides = array<i32>} : memref<2x1280x32xf32, #tpu.memory_space<vmem>>, vector<1x1x16xf32>,
      %get3A_172 = arith.constant 0 : i32
      %get3A_173 = arith.index_cast %get3A_172 : i32 to index
      %get3A_174 = arith.index_cast %add3A_155 : i32 to index
      %get3A_175 = arith.constant 16 : index
      %get3A_176 = tpu.vector_load %arg6[%get3A_173, %get3A_174, %get3A_175] {strides = array<i32>} : memref<2x1280x32xf32, #tpu.memory_space<vmem>>, vector<1x1x16xf32>,
      %get3A_177 = vector.shape_cast %get3A_176 : vector<1x1x16xf32> to vector<16xf32>
      %mul3A_178 = arith.constant 5.65685415 : f32
      %mul3A_179 = vector.broadcast %mul3A_178 : f32 to vector<16xf32>
      %mul3A_180 = arith.mulf %get3A_177, %mul3A_179 : vector<16xf32>
      %swap3A_181 = arith.constant 0 : i32
      %swap3A_182 = arith.index_cast %swap3A_181 : i32 to index
      %swap3A_183 = arith.index_cast %add3A_155 : i32 to index
      %swap3A_184 = arith.constant 16 : index
      %swap3A_185 = tpu.vector_load %arg6[%swap3A_182, %swap3A_183, %swap3A_184] {strides = array<i32>} : memref<2x1280x32xf32, #tpu.memory_space<vmem>>, vector<1x1x16xf32>,
      %swap3A_186 = vector.shape_cast %swap3A_185 : vector<1x1x16xf32> to vector<16xf32>
      %swap3A_187 = vector.shape_cast %mul3A_180 : vector<16xf32> to vector<1x1x16xf32>
      tpu.vector_store %arg6[%swap3A_182, %swap3A_183, %swap3A_184], %swap3A_187 {strides = array<i32>} : memref<2x1280x32xf32, #tpu.memory_space<vmem>>, vector<1x1x16xf32>,
      %scan3A_188 = arith.constant 2 : i32
      %scan3A_189 = arith.addi %scan3A_115, %scan3A_188 : i32
      %mul3A_190 = arith.constant 1 : i32
      %mul3A_191 = arith.muli %scan3A_189, %mul3A_190 : i32
      %add3A_192 = arith.constant 0 : i32
      %add3A_193 = arith.addi %add3A_192, %mul3A_191 : i32
      %get3A_194 = arith.constant 0 : i32
      %get3A_195 = arith.index_cast %get3A_194 : i32 to index
      %get3A_196 = arith.index_cast %add3A_193 : i32 to index
      %get3A_197 = arith.constant 0 : index
      %get3A_198 = tpu.vector_load %arg6[%get3A_195, %get3A_196, %get3A_197] {strides = array<i32>} : memref<2x1280x32xf32, #tpu.memory_space<vmem>>, vector<1x1x16xf32>,
      %get3A_199 = vector.shape_cast %get3A_198 : vector<1x1x16xf32> to vector<16xf32>
      %mul3A_200 = arith.constant 5.65685415 : f32
      %mul3A_201 = vector.broadcast %mul3A_200 : f32 to vector<16xf32>
      %mul3A_202 = arith.mulf %get3A_199, %mul3A_201 : vector<16xf32>
      %swap3A_203 = arith.constant 0 : i32
      %swap3A_204 = arith.index_cast %swap3A_203 : i32 to index
      %swap3A_205 = arith.index_cast %add3A_193 : i32 to index
      %swap3A_206 = arith.constant 0 : index
      %swap3A_207 = tpu.vector_load %arg6[%swap3A_204, %swap3A_205, %swap3A_206] {strides = array<i32>} : memref<2x1280x32xf32, #tpu.memory_space<vmem>>, vector<1x1x16xf32>,
      %swap3A_208 = vector.shape_cast %swap3A_207 : vector<1x1x16xf32> to vector<16xf32>
      %swap3A_209 = vector.shape_cast %mul3A_202 : vector<16xf32> to vector<1x1x16xf32>
      tpu.vector_store %arg6[%swap3A_204, %swap3A_205, %swap3A_206], %swap3A_209 {strides = array<i32>} : memref<2x1280x32xf32, #tpu.memory_space<vmem>>, vector<1x1x16xf32>,
      %get3A_210 = arith.constant 0 : i32
      %get3A_211 = arith.index_cast %get3A_210 : i32 to index
      %get3A_212 = arith.index_cast %add3A_193 : i32 to index
      %get3A_213 = arith.constant 16 : index
      %get3A_214 = tpu.vector_load %arg6[%get3A_211, %get3A_212, %get3A_213] {strides = array<i32>} : memref<2x1280x32xf32, #tpu.memory_space<vmem>>, vector<1x1x16xf32>,
      %get3A_215 = vector.shape_cast %get3A_214 : vector<1x1x16xf32> to vector<16xf32>
      %mul3A_216 = arith.constant 5.65685415 : f32
      %mul3A_217 = vector.broadcast %mul3A_216 : f32 to vector<16xf32>
      %mul3A_218 = arith.mulf %get3A_215, %mul3A_217 : vector<16xf32>
      %swap3A_219 = arith.constant 0 : i32
      %swap3A_220 = arith.index_cast %swap3A_219 : i32 to index
      %swap3A_221 = arith.index_cast %add3A_193 : i32 to index
      %swap3A_222 = arith.constant 16 : index
      %swap3A_223 = tpu.vector_load %arg6[%swap3A_220, %swap3A_221, %swap3A_222] {strides = array<i32>} : memref<2x1280x32xf32, #tpu.memory_space<vmem>>, vector<1x1x16xf32>,
      %swap3A_224 = vector.shape_cast %swap3A_223 : vector<1x1x16xf32> to vector<16xf32>
      %swap3A_225 = vector.shape_cast %mul3A_218 : vector<16xf32> to vector<1x1x16xf32>
      tpu.vector_store %arg6[%swap3A_220, %swap3A_221, %swap3A_222], %swap3A_225 {strides = array<i32>} : memref<2x1280x32xf32, #tpu.memory_space<vmem>>, vector<1x1x16xf32>,
      %scan3A_226 = arith.constant 3 : i32
      %scan3A_227 = arith.addi %scan3A_115, %scan3A_226 : i32
      %mul3A_228 = arith.constant 1 : i32
      %mul3A_229 = arith.muli %scan3A_227, %mul3A_228 : i32
      %add3A_230 = arith.constant 0 : i32
      %add3A_231 = arith.addi %add3A_230, %mul3A_229 : i32
      %get3A_232 = arith.constant 0 : i32
      %get3A_233 = arith.index_cast %get3A_232 : i32 to index
      %get3A_234 = arith.index_cast %add3A_231 : i32 to index
      %get3A_235 = arith.constant 0 : index
      %get3A_236 = tpu.vector_load %arg6[%get3A_233, %get3A_234, %get3A_235] {strides = array<i32>} : memref<2x1280x32xf32, #tpu.memory_space<vmem>>, vector<1x1x16xf32>,
      %get3A_237 = vector.shape_cast %get3A_236 : vector<1x1x16xf32> to vector<16xf32>
      %mul3A_238 = arith.constant 5.65685415 : f32
      %mul3A_239 = vector.broadcast %mul3A_238 : f32 to vector<16xf32>
      %mul3A_240 = arith.mulf %get3A_237, %mul3A_239 : vector<16xf32>
      %swap3A_241 = arith.constant 0 : i32
      %swap3A_242 = arith.index_cast %swap3A_241 : i32 to index
      %swap3A_243 = arith.index_cast %add3A_231 : i32 to index
      %swap3A_244 = arith.constant 0 : index
      %swap3A_245 = tpu.vector_load %arg6[%swap3A_242, %swap3A_243, %swap3A_244] {strides = array<i32>} : memref<2x1280x32xf32, #tpu.memory_space<vmem>>, vector<1x1x16xf32>,
      %swap3A_246 = vector.shape_cast %swap3A_245 : vector<1x1x16xf32> to vector<16xf32>
      %swap3A_247 = vector.shape_cast %mul3A_240 : vector<16xf32> to vector<1x1x16xf32>
      tpu.vector_store %arg6[%swap3A_242, %swap3A_243, %swap3A_244], %swap3A_247 {strides = array<i32>} : memref<2x1280x32xf32, #tpu.memory_space<vmem>>, vector<1x1x16xf32>,
      %get3A_248 = arith.constant 0 : i32
      %get3A_249 = arith.index_cast %get3A_248 : i32 to index
      %get3A_250 = arith.index_cast %add3A_231 : i32 to index
      %get3A_251 = arith.constant 16 : index
      %get3A_252 = tpu.vector_load %arg6[%get3A_249, %get3A_250, %get3A_251] {strides = array<i32>} : memref<2x1280x32xf32, #tpu.memory_space<vmem>>, vector<1x1x16xf32>,
      %get3A_253 = vector.shape_cast %get3A_252 : vector<1x1x16xf32> to vector<16xf32>
      %mul3A_254 = arith.constant 5.65685415 : f32
      %mul3A_255 = vector.broadcast %mul3A_254 : f32 to vector<16xf32>
      %mul3A_256 = arith.mulf %get3A_253, %mul3A_255 : vector<16xf32>
      %swap3A_257 = arith.constant 0 : i32
      %swap3A_258 = arith.index_cast %swap3A_257 : i32 to index
      %swap3A_259 = arith.index_cast %add3A_231 : i32 to index
      %swap3A_260 = arith.constant 16 : index
      %swap3A_261 = tpu.vector_load %arg6[%swap3A_258, %swap3A_259, %swap3A_260] {strides = array<i32>} : memref<2x1280x32xf32, #tpu.memory_space<vmem>>, vector<1x1x16xf32>,
      %swap3A_262 = vector.shape_cast %swap3A_261 : vector<1x1x16xf32> to vector<16xf32>
      %swap3A_263 = vector.shape_cast %mul3A_256 : vector<16xf32> to vector<1x1x16xf32>
      tpu.vector_store %arg6[%swap3A_258, %swap3A_259, %swap3A_260], %swap3A_263 {strides = array<i32>} : memref<2x1280x32xf32, #tpu.memory_space<vmem>>, vector<1x1x16xf32>,
      %scan3A_264 = arith.constant 4 : i32
      %scan3A_265 = arith.addi %scan3A_115, %scan3A_264 : i32
      %mul3A_266 = arith.constant 1 : i32
      %mul3A_267 = arith.muli %scan3A_265, %mul3A_266 : i32
      %add3A_268 = arith.constant 0 : i32
      %add3A_269 = arith.addi %add3A_268, %mul3A_267 : i32
      %get3A_270 = arith.constant 0 : i32
      %get3A_271 = arith.index_cast %get3A_270 : i32 to index
      %get3A_272 = arith.index_cast %add3A_269 : i32 to index
      %get3A_273 = arith.constant 0 : index
      %get3A_274 = tpu.vector_load %arg6[%get3A_271, %get3A_272, %get3A_273] {strides = array<i32>} : memref<2x1280x32xf32, #tpu.memory_space<vmem>>, vector<1x1x16xf32>,
      %get3A_275 = vector.shape_cast %get3A_274 : vector<1x1x16xf32> to vector<16xf32>
      %mul3A_276 = arith.constant 5.65685415 : f32
      %mul3A_277 = vector.broadcast %mul3A_276 : f32 to vector<16xf32>
      %mul3A_278 = arith.mulf %get3A_275, %mul3A_277 : vector<16xf32>
      %swap3A_279 = arith.constant 0 : i32
      %swap3A_280 = arith.index_cast %swap3A_279 : i32 to index
      %swap3A_281 = arith.index_cast %add3A_269 : i32 to index
      %swap3A_282 = arith.constant 0 : index
      %swap3A_283 = tpu.vector_load %arg6[%swap3A_280, %swap3A_281, %swap3A_282] {strides = array<i32>} : memref<2x1280x32xf32, #tpu.memory_space<vmem>>, vector<1x1x16xf32>,
      %swap3A_284 = vector.shape_cast %swap3A_283 : vector<1x1x16xf32> to vector<16xf32>
      %swap3A_285 = vector.shape_cast %mul3A_278 : vector<16xf32> to vector<1x1x16xf32>
      tpu.vector_store %arg6[%swap3A_280, %swap3A_281, %swap3A_282], %swap3A_285 {strides = array<i32>} : memref<2x1280x32xf32, #tpu.memory_space<vmem>>, vector<1x1x16xf32>,
      %get3A_286 = arith.constant 0 : i32
      %get3A_287 = arith.index_cast %get3A_286 : i32 to index
      %get3A_288 = arith.index_cast %add3A_269 : i32 to index
      %get3A_289 = arith.constant 16 : index
      %get3A_290 = tpu.vector_load %arg6[%get3A_287, %get3A_288, %get3A_289] {strides = array<i32>} : memref<2x1280x32xf32, #tpu.memory_space<vmem>>, vector<1x1x16xf32>,
      %get3A_291 = vector.shape_cast %get3A_290 : vector<1x1x16xf32> to vector<16xf32>
      %mul3A_292 = arith.constant 5.65685415 : f32
      %mul3A_293 = vector.broadcast %mul3A_292 : f32 to vector<16xf32>
      %mul3A_294 = arith.mulf %get3A_291, %mul3A_293 : vector<16xf32>
      %swap3A_295 = arith.constant 0 : i32
      %swap3A_296 = arith.index_cast %swap3A_295 : i32 to index
      %swap3A_297 = arith.index_cast %add3A_269 : i32 to index
      %swap3A_298 = arith.constant 16 : index
      %swap3A_299 = tpu.vector_load %arg6[%swap3A_296, %swap3A_297, %swap3A_298] {strides = array<i32>} : memref<2x1280x32xf32, #tpu.memory_space<vmem>>, vector<1x1x16xf32>,
      %swap3A_300 = vector.shape_cast %swap3A_299 : vector<1x1x16xf32> to vector<16xf32>
      %swap3A_301 = vector.shape_cast %mul3A_294 : vector<16xf32> to vector<1x1x16xf32>
      tpu.vector_store %arg6[%swap3A_296, %swap3A_297, %swap3A_298], %swap3A_301 {strides = array<i32>} : memref<2x1280x32xf32, #tpu.memory_space<vmem>>, vector<1x1x16xf32>,
      %scan3A_302 = arith.constant 5 : i32
      %scan3A_303 = arith.addi %scan3A_115, %scan3A_302 : i32
      %mul3A_304 = arith.constant 1 : i32
      %mul3A_305 = arith.muli %scan3A_303, %mul3A_304 : i32
      %add3A_306 = arith.constant 0 : i32
      %add3A_307 = arith.addi %add3A_306, %mul3A_305 : i32
      %get3A_308 = arith.constant 0 : i32
      %get3A_309 = arith.index_cast %get3A_308 : i32 to index
      %get3A_310 = arith.index_cast %add3A_307 : i32 to index
      %get3A_311 = arith.constant 0 : index
      %get3A_312 = tpu.vector_load %arg6[%get3A_309, %get3A_310, %get3A_311] {strides = array<i32>} : memref<2x1280x32xf32, #tpu.memory_space<vmem>>, vector<1x1x16xf32>,
      %get3A_313 = vector.shape_cast %get3A_312 : vector<1x1x16xf32> to vector<16xf32>
      %mul3A_314 = arith.constant 5.65685415 : f32
      %mul3A_315 = vector.broadcast %mul3A_314 : f32 to vector<16xf32>
      %mul3A_316 = arith.mulf %get3A_313, %mul3A_315 : vector<16xf32>
      %swap3A_317 = arith.constant 0 : i32
      %swap3A_318 = arith.index_cast %swap3A_317 : i32 to index
      %swap3A_319 = arith.index_cast %add3A_307 : i32 to index
      %swap3A_320 = arith.constant 0 : index
      %swap3A_321 = tpu.vector_load %arg6[%swap3A_318, %swap3A_319, %swap3A_320] {strides = array<i32>} : memref<2x1280x32xf32, #tpu.memory_space<vmem>>, vector<1x1x16xf32>,
      %swap3A_322 = vector.shape_cast %swap3A_321 : vector<1x1x16xf32> to vector<16xf32>
      %swap3A_323 = vector.shape_cast %mul3A_316 : vector<16xf32> to vector<1x1x16xf32>
      tpu.vector_store %arg6[%swap3A_318, %swap3A_319, %swap3A_320], %swap3A_323 {strides = array<i32>} : memref<2x1280x32xf32, #tpu.memory_space<vmem>>, vector<1x1x16xf32>,
      %get3A_324 = arith.constant 0 : i32
      %get3A_325 = arith.index_cast %get3A_324 : i32 to index
      %get3A_326 = arith.index_cast %add3A_307 : i32 to index
      %get3A_327 = arith.constant 16 : index
      %get3A_328 = tpu.vector_load %arg6[%get3A_325, %get3A_326, %get3A_327] {strides = array<i32>} : memref<2x1280x32xf32, #tpu.memory_space<vmem>>, vector<1x1x16xf32>,
      %get3A_329 = vector.shape_cast %get3A_328 : vector<1x1x16xf32> to vector<16xf32>
      %mul3A_330 = arith.constant 5.65685415 : f32
      %mul3A_331 = vector.broadcast %mul3A_330 : f32 to vector<16xf32>
      %mul3A_332 = arith.mulf %get3A_329, %mul3A_331 : vector<16xf32>
      %swap3A_333 = arith.constant 0 : i32
      %swap3A_334 = arith.index_cast %swap3A_333 : i32 to index
      %swap3A_335 = arith.index_cast %add3A_307 : i32 to index
      %swap3A_336 = arith.constant 16 : index
      %swap3A_337 = tpu.vector_load %arg6[%swap3A_334, %swap3A_335, %swap3A_336] {strides = array<i32>} : memref<2x1280x32xf32, #tpu.memory_space<vmem>>, vector<1x1x16xf32>,
      %swap3A_338 = vector.shape_cast %swap3A_337 : vector<1x1x16xf32> to vector<16xf32>
      %swap3A_339 = vector.shape_cast %mul3A_332 : vector<16xf32> to vector<1x1x16xf32>
      tpu.vector_store %arg6[%swap3A_334, %swap3A_335, %swap3A_336], %swap3A_339 {strides = array<i32>} : memref<2x1280x32xf32, #tpu.memory_space<vmem>>, vector<1x1x16xf32>,
      %scan3A_340 = arith.constant 6 : i32
      %scan3A_341 = arith.addi %scan3A_115, %scan3A_340 : i32
      %mul3A_342 = arith.constant 1 : i32
      %mul3A_343 = arith.muli %scan3A_341, %mul3A_342 : i32
      %add3A_344 = arith.constant 0 : i32
      %add3A_345 = arith.addi %add3A_344, %mul3A_343 : i32
      %get3A_346 = arith.constant 0 : i32
      %get3A_347 = arith.index_cast %get3A_346 : i32 to index
      %get3A_348 = arith.index_cast %add3A_345 : i32 to index
      %get3A_349 = arith.constant 0 : index
      %get3A_350 = tpu.vector_load %arg6[%get3A_347, %get3A_348, %get3A_349] {strides = array<i32>} : memref<2x1280x32xf32, #tpu.memory_space<vmem>>, vector<1x1x16xf32>,
      %get3A_351 = vector.shape_cast %get3A_350 : vector<1x1x16xf32> to vector<16xf32>
      %mul3A_352 = arith.constant 5.65685415 : f32
      %mul3A_353 = vector.broadcast %mul3A_352 : f32 to vector<16xf32>
      %mul3A_354 = arith.mulf %get3A_351, %mul3A_353 : vector<16xf32>
      %swap3A_355 = arith.constant 0 : i32
      %swap3A_356 = arith.index_cast %swap3A_355 : i32 to index
      %swap3A_357 = arith.index_cast %add3A_345 : i32 to index
      %swap3A_358 = arith.constant 0 : index
      %swap3A_359 = tpu.vector_load %arg6[%swap3A_356, %swap3A_357, %swap3A_358] {strides = array<i32>} : memref<2x1280x32xf32, #tpu.memory_space<vmem>>, vector<1x1x16xf32>,
      %swap3A_360 = vector.shape_cast %swap3A_359 : vector<1x1x16xf32> to vector<16xf32>
      %swap3A_361 = vector.shape_cast %mul3A_354 : vector<16xf32> to vector<1x1x16xf32>
      tpu.vector_store %arg6[%swap3A_356, %swap3A_357, %swap3A_358], %swap3A_361 {strides = array<i32>} : memref<2x1280x32xf32, #tpu.memory_space<vmem>>, vector<1x1x16xf32>,
      %get3A_362 = arith.constant 0 : i32
      %get3A_363 = arith.index_cast %get3A_362 : i32 to index
      %get3A_364 = arith.index_cast %add3A_345 : i32 to index
      %get3A_365 = arith.constant 16 : index
      %get3A_366 = tpu.vector_load %arg6[%get3A_363, %get3A_364, %get3A_365] {strides = array<i32>} : memref<2x1280x32xf32, #tpu.memory_space<vmem>>, vector<1x1x16xf32>,
      %get3A_367 = vector.shape_cast %get3A_366 : vector<1x1x16xf32> to vector<16xf32>
      %mul3A_368 = arith.constant 5.65685415 : f32
      %mul3A_369 = vector.broadcast %mul3A_368 : f32 to vector<16xf32>
      %mul3A_370 = arith.mulf %get3A_367, %mul3A_369 : vector<16xf32>
      %swap3A_371 = arith.constant 0 : i32
      %swap3A_372 = arith.index_cast %swap3A_371 : i32 to index
      %swap3A_373 = arith.index_cast %add3A_345 : i32 to index
      %swap3A_374 = arith.constant 16 : index
      %swap3A_375 = tpu.vector_load %arg6[%swap3A_372, %swap3A_373, %swap3A_374] {strides = array<i32>} : memref<2x1280x32xf32, #tpu.memory_space<vmem>>, vector<1x1x16xf32>,
      %swap3A_376 = vector.shape_cast %swap3A_375 : vector<1x1x16xf32> to vector<16xf32>
      %swap3A_377 = vector.shape_cast %mul3A_370 : vector<16xf32> to vector<1x1x16xf32>
      tpu.vector_store %arg6[%swap3A_372, %swap3A_373, %swap3A_374], %swap3A_377 {strides = array<i32>} : memref<2x1280x32xf32, #tpu.memory_space<vmem>>, vector<1x1x16xf32>,
      %scan3A_378 = arith.constant 7 : i32
      %scan3A_379 = arith.addi %scan3A_115, %scan3A_378 : i32
      %mul3A_380 = arith.constant 1 : i32
      %mul3A_381 = arith.muli %scan3A_379, %mul3A_380 : i32
      %add3A_382 = arith.constant 0 : i32
      %add3A_383 = arith.addi %add3A_382, %mul3A_381 : i32
      %get3A_384 = arith.constant 0 : i32
      %get3A_385 = arith.index_cast %get3A_384 : i32 to index
      %get3A_386 = arith.index_cast %add3A_383 : i32 to index
      %get3A_387 = arith.constant 0 : index
      %get3A_388 = tpu.vector_load %arg6[%get3A_385, %get3A_386, %get3A_387] {strides = array<i32>} : memref<2x1280x32xf32, #tpu.memory_space<vmem>>, vector<1x1x16xf32>,
      %get3A_389 = vector.shape_cast %get3A_388 : vector<1x1x16xf32> to vector<16xf32>
      %mul3A_390 = arith.constant 5.65685415 : f32
      %mul3A_391 = vector.broadcast %mul3A_390 : f32 to vector<16xf32>
      %mul3A_392 = arith.mulf %get3A_389, %mul3A_391 : vector<16xf32>
      %swap3A_393 = arith.constant 0 : i32
      %swap3A_394 = arith.index_cast %swap3A_393 : i32 to index
      %swap3A_395 = arith.index_cast %add3A_383 : i32 to index
      %swap3A_396 = arith.constant 0 : index
      %swap3A_397 = tpu.vector_load %arg6[%swap3A_394, %swap3A_395, %swap3A_396] {strides = array<i32>} : memref<2x1280x32xf32, #tpu.memory_space<vmem>>, vector<1x1x16xf32>,
      %swap3A_398 = vector.shape_cast %swap3A_397 : vector<1x1x16xf32> to vector<16xf32>
      %swap3A_399 = vector.shape_cast %mul3A_392 : vector<16xf32> to vector<1x1x16xf32>
      tpu.vector_store %arg6[%swap3A_394, %swap3A_395, %swap3A_396], %swap3A_399 {strides = array<i32>} : memref<2x1280x32xf32, #tpu.memory_space<vmem>>, vector<1x1x16xf32>,
      %get3A_400 = arith.constant 0 : i32
      %get3A_401 = arith.index_cast %get3A_400 : i32 to index
      %get3A_402 = arith.index_cast %add3A_383 : i32 to index
      %get3A_403 = arith.constant 16 : index
      %get3A_404 = tpu.vector_load %arg6[%get3A_401, %get3A_402, %get3A_403] {strides = array<i32>} : memref<2x1280x32xf32, #tpu.memory_space<vmem>>, vector<1x1x16xf32>,
      %get3A_405 = vector.shape_cast %get3A_404 : vector<1x1x16xf32> to vector<16xf32>
      %mul3A_406 = arith.constant 5.65685415 : f32
      %mul3A_407 = vector.broadcast %mul3A_406 : f32 to vector<16xf32>
      %mul3A_408 = arith.mulf %get3A_405, %mul3A_407 : vector<16xf32>
      %swap3A_409 = arith.constant 0 : i32
      %swap3A_410 = arith.index_cast %swap3A_409 : i32 to index
      %swap3A_411 = arith.index_cast %add3A_383 : i32 to index
      %swap3A_412 = arith.constant 16 : index
      %swap3A_413 = tpu.vector_load %arg6[%swap3A_410, %swap3A_411, %swap3A_412] {strides = array<i32>} : memref<2x1280x32xf32, #tpu.memory_space<vmem>>, vector<1x1x16xf32>,
      %swap3A_414 = vector.shape_cast %swap3A_413 : vector<1x1x16xf32> to vector<16xf32>
      %swap3A_415 = vector.shape_cast %mul3A_408 : vector<16xf32> to vector<1x1x16xf32>
      tpu.vector_store %arg6[%swap3A_410, %swap3A_411, %swap3A_412], %swap3A_415 {strides = array<i32>} : memref<2x1280x32xf32, #tpu.memory_space<vmem>>, vector<1x1x16xf32>,
    }
    %scan3A_39 = arith.constant 1280 : i32
    %add3A_40 = arith.constant 23040 : i32
    %add3A_41 = arith.addi %mul3A_2, %add3A_40 : i32
    %dma_start3A_42 = arith.constant 0 : i32
    %dma_start3A_43 = arith.constant 0 : i32
    %dma_start3A_44 = arith.constant 0 : i32
    %dma_start3A_45 = tpu.memref_slice %arg6[%dma_start3A_42, %dma_start3A_43, %dma_start3A_44] : memref<2x1280x32xf32, #tpu.memory_space<vmem>> -> memref<1x1280x32xf32, #tpu.memory_space<vmem>>
    %dma_start3A_46 = tpu.memref_squeeze %dma_start3A_45 : memref<1x1280x32xf32, #tpu.memory_space<vmem>> -> memref<1280x32xf32, #tpu.memory_space<vmem>>
    %dma_start3A_47 = arith.constant 0 : i32
    %dma_start3A_48 = tpu.memref_slice %arg4[%add3A_41, %dma_start3A_47] : memref<819200x32xf32, #tpu.memory_space<hbm>> -> memref<1280x32xf32, #tpu.memory_space<hbm>>
    %dma_start3A_49 = arith.constant 0 : i32
    %dma_start3A_50 = tpu.memref_slice %arg4[%add3A_41, %dma_start3A_49] : memref<819200x32xf32, #tpu.memory_space<hbm>> -> memref<1280x32xf32, #tpu.memory_space<hbm>>
    %dma_start3A_51 = arith.constant 0 : i32
    %dma_start3A_52 = arith.constant 0 : i32
    %dma_start3A_53 = tpu.memref_slice %arg6[%dma_start3A_42, %dma_start3A_51, %dma_start3A_52] : memref<2x1280x32xf32, #tpu.memory_space<vmem>> -> memref<1x1280x32xf32, #tpu.memory_space<vmem>>
    %dma_start3A_54 = tpu.memref_squeeze %dma_start3A_53 : memref<1x1280x32xf32, #tpu.memory_space<vmem>> -> memref<1280x32xf32, #tpu.memory_space<vmem>>
    tpu.enqueue_dma source(%dma_start3A_54 : memref<1280x32xf32, #tpu.memory_space<vmem>>) target(%dma_start3A_50 : memref<1280x32xf32, #tpu.memory_space<hbm>>) target_semaphore(%arg9 : memref<!tpu.dma_semaphore, #tpu.memory_space<semaphore_mem>>)
    %dma_wait3A_55 = arith.constant 1 : i32
    %dma_wait3A_56 = arith.constant 0 : i32
    %dma_wait3A_57 = arith.constant 0 : i32
    %dma_wait3A_58 = tpu.memref_slice %arg6[%dma_wait3A_55, %dma_wait3A_56, %dma_wait3A_57] : memref<2x1280x32xf32, #tpu.memory_space<vmem>> -> memref<1x1280x32xf32, #tpu.memory_space<vmem>>
    %dma_wait3A_59 = tpu.memref_squeeze %dma_wait3A_58 : memref<1x1280x32xf32, #tpu.memory_space<vmem>> -> memref<1280x32xf32, #tpu.memory_space<vmem>>
    %dma_wait3A_60 = arith.constant 24320 : i32
    %dma_wait3A_61 = tpu.memref_slice %arg5[%dma_wait3A_60] : memref<25600xi32, #tpu.memory_space<vmem>> -> memref<1280xi32, #tpu.memory_space<vmem>>
    %dma_wait3A_62 = arith.constant 0 : i32
    %dma_wait3A_63 = arith.constant 0 : i32
    %dma_wait3A_64 = tpu.memref_slice %arg3[%dma_wait3A_62, %dma_wait3A_63] : memref<1000000x32xf32, #tpu.memory_space<hbm>> -> memref<1000000x32xf32, #tpu.memory_space<hbm>>
    tpu.wait_indirect_dma semaphore(%arg8 : memref<!tpu.dma_semaphore, #tpu.memory_space<semaphore_mem>>) src(%dma_wait3A_64 : memref<1000000x32xf32, #tpu.memory_space<hbm>>) dst(%dma_wait3A_59 : memref<1280x32xf32, #tpu.memory_space<vmem>>)
    %scan3A_65 = arith.constant 0 : i32
    %scan3A_66 = arith.constant 1280 : i32
    %scan3A_67 = arith.addi %scan3A_65, %scan3A_66 : i32
    %scan3A_68 = arith.constant 8 : i32
    scf.for %scan3A_115 = %scan3A_65 to %scan3A_67 step %scan3A_68  : i32 {
      %mul3A_116 = arith.constant 1 : i32
      %mul3A_117 = arith.muli %scan3A_115, %mul3A_116 : i32
      %add3A_118 = arith.constant 0 : i32
      %add3A_119 = arith.addi %add3A_118, %mul3A_117 : i32
      %get3A = arith.constant 1 : i32
      %get3A_120 = arith.index_cast %get3A : i32 to index
      %get3A_121 = arith.index_cast %add3A_119 : i32 to index
      %get3A_122 = arith.constant 0 : index
      %get3A_123 = tpu.vector_load %arg6[%get3A_120, %get3A_121, %get3A_122] {strides = array<i32>} : memref<2x1280x32xf32, #tpu.memory_space<vmem>>, vector<1x1x16xf32>,
      %get3A_124 = vector.shape_cast %get3A_123 : vector<1x1x16xf32> to vector<16xf32>
      %mul3A_125 = arith.constant 5.65685415 : f32
      %mul3A_126 = vector.broadcast %mul3A_125 : f32 to vector<16xf32>
      %mul3A_127 = arith.mulf %get3A_124, %mul3A_126 : vector<16xf32>
      %swap3A = arith.constant 1 : i32
      %swap3A_128 = arith.index_cast %swap3A : i32 to index
      %swap3A_129 = arith.index_cast %add3A_119 : i32 to index
      %swap3A_130 = arith.constant 0 : index
      %swap3A_131 = tpu.vector_load %arg6[%swap3A_128, %swap3A_129, %swap3A_130] {strides = array<i32>} : memref<2x1280x32xf32, #tpu.memory_space<vmem>>, vector<1x1x16xf32>,
      %swap3A_132 = vector.shape_cast %swap3A_131 : vector<1x1x16xf32> to vector<16xf32>
      %swap3A_133 = vector.shape_cast %mul3A_127 : vector<16xf32> to vector<1x1x16xf32>
      tpu.vector_store %arg6[%swap3A_128, %swap3A_129, %swap3A_130], %swap3A_133 {strides = array<i32>} : memref<2x1280x32xf32, #tpu.memory_space<vmem>>, vector<1x1x16xf32>,
      %get3A_134 = arith.constant 1 : i32
      %get3A_135 = arith.index_cast %get3A_134 : i32 to index
      %get3A_136 = arith.index_cast %add3A_119 : i32 to index
      %get3A_137 = arith.constant 16 : index
      %get3A_138 = tpu.vector_load %arg6[%get3A_135, %get3A_136, %get3A_137] {strides = array<i32>} : memref<2x1280x32xf32, #tpu.memory_space<vmem>>, vector<1x1x16xf32>,
      %get3A_139 = vector.shape_cast %get3A_138 : vector<1x1x16xf32> to vector<16xf32>
      %mul3A_140 = arith.constant 5.65685415 : f32
      %mul3A_141 = vector.broadcast %mul3A_140 : f32 to vector<16xf32>
      %mul3A_142 = arith.mulf %get3A_139, %mul3A_141 : vector<16xf32>
      %swap3A_143 = arith.constant 1 : i32
      %swap3A_144 = arith.index_cast %swap3A_143 : i32 to index
      %swap3A_145 = arith.index_cast %add3A_119 : i32 to index
      %swap3A_146 = arith.constant 16 : index
      %swap3A_147 = tpu.vector_load %arg6[%swap3A_144, %swap3A_145, %swap3A_146] {strides = array<i32>} : memref<2x1280x32xf32, #tpu.memory_space<vmem>>, vector<1x1x16xf32>,
      %swap3A_148 = vector.shape_cast %swap3A_147 : vector<1x1x16xf32> to vector<16xf32>
      %swap3A_149 = vector.shape_cast %mul3A_142 : vector<16xf32> to vector<1x1x16xf32>
      tpu.vector_store %arg6[%swap3A_144, %swap3A_145, %swap3A_146], %swap3A_149 {strides = array<i32>} : memref<2x1280x32xf32, #tpu.memory_space<vmem>>, vector<1x1x16xf32>,
      %scan3A_150 = arith.constant 1 : i32
      %scan3A_151 = arith.addi %scan3A_115, %scan3A_150 : i32
      %mul3A_152 = arith.constant 1 : i32
      %mul3A_153 = arith.muli %scan3A_151, %mul3A_152 : i32
      %add3A_154 = arith.constant 0 : i32
      %add3A_155 = arith.addi %add3A_154, %mul3A_153 : i32
      %get3A_156 = arith.constant 1 : i32
      %get3A_157 = arith.index_cast %get3A_156 : i32 to index
      %get3A_158 = arith.index_cast %add3A_155 : i32 to index
      %get3A_159 = arith.constant 0 : index
      %get3A_160 = tpu.vector_load %arg6[%get3A_157, %get3A_158, %get3A_159] {strides = array<i32>} : memref<2x1280x32xf32, #tpu.memory_space<vmem>>, vector<1x1x16xf32>,
      %get3A_161 = vector.shape_cast %get3A_160 : vector<1x1x16xf32> to vector<16xf32>
      %mul3A_162 = arith.constant 5.65685415 : f32
      %mul3A_163 = vector.broadcast %mul3A_162 : f32 to vector<16xf32>
      %mul3A_164 = arith.mulf %get3A_161, %mul3A_163 : vector<16xf32>
      %swap3A_165 = arith.constant 1 : i32
      %swap3A_166 = arith.index_cast %swap3A_165 : i32 to index
      %swap3A_167 = arith.index_cast %add3A_155 : i32 to index
      %swap3A_168 = arith.constant 0 : index
      %swap3A_169 = tpu.vector_load %arg6[%swap3A_166, %swap3A_167, %swap3A_168] {strides = array<i32>} : memref<2x1280x32xf32, #tpu.memory_space<vmem>>, vector<1x1x16xf32>,
      %swap3A_170 = vector.shape_cast %swap3A_169 : vector<1x1x16xf32> to vector<16xf32>
      %swap3A_171 = vector.shape_cast %mul3A_164 : vector<16xf32> to vector<1x1x16xf32>
      tpu.vector_store %arg6[%swap3A_166, %swap3A_167, %swap3A_168], %swap3A_171 {strides = array<i32>} : memref<2x1280x32xf32, #tpu.memory_space<vmem>>, vector<1x1x16xf32>,
      %get3A_172 = arith.constant 1 : i32
      %get3A_173 = arith.index_cast %get3A_172 : i32 to index
      %get3A_174 = arith.index_cast %add3A_155 : i32 to index
      %get3A_175 = arith.constant 16 : index
      %get3A_176 = tpu.vector_load %arg6[%get3A_173, %get3A_174, %get3A_175] {strides = array<i32>} : memref<2x1280x32xf32, #tpu.memory_space<vmem>>, vector<1x1x16xf32>,
      %get3A_177 = vector.shape_cast %get3A_176 : vector<1x1x16xf32> to vector<16xf32>
      %mul3A_178 = arith.constant 5.65685415 : f32
      %mul3A_179 = vector.broadcast %mul3A_178 : f32 to vector<16xf32>
      %mul3A_180 = arith.mulf %get3A_177, %mul3A_179 : vector<16xf32>
      %swap3A_181 = arith.constant 1 : i32
      %swap3A_182 = arith.index_cast %swap3A_181 : i32 to index
      %swap3A_183 = arith.index_cast %add3A_155 : i32 to index
      %swap3A_184 = arith.constant 16 : index
      %swap3A_185 = tpu.vector_load %arg6[%swap3A_182, %swap3A_183, %swap3A_184] {strides = array<i32>} : memref<2x1280x32xf32, #tpu.memory_space<vmem>>, vector<1x1x16xf32>,
      %swap3A_186 = vector.shape_cast %swap3A_185 : vector<1x1x16xf32> to vector<16xf32>
      %swap3A_187 = vector.shape_cast %mul3A_180 : vector<16xf32> to vector<1x1x16xf32>
      tpu.vector_store %arg6[%swap3A_182, %swap3A_183, %swap3A_184], %swap3A_187 {strides = array<i32>} : memref<2x1280x32xf32, #tpu.memory_space<vmem>>, vector<1x1x16xf32>,
      %scan3A_188 = arith.constant 2 : i32
      %scan3A_189 = arith.addi %scan3A_115, %scan3A_188 : i32
      %mul3A_190 = arith.constant 1 : i32
      %mul3A_191 = arith.muli %scan3A_189, %mul3A_190 : i32
      %add3A_192 = arith.constant 0 : i32
      %add3A_193 = arith.addi %add3A_192, %mul3A_191 : i32
      %get3A_194 = arith.constant 1 : i32
      %get3A_195 = arith.index_cast %get3A_194 : i32 to index
      %get3A_196 = arith.index_cast %add3A_193 : i32 to index
      %get3A_197 = arith.constant 0 : index
      %get3A_198 = tpu.vector_load %arg6[%get3A_195, %get3A_196, %get3A_197] {strides = array<i32>} : memref<2x1280x32xf32, #tpu.memory_space<vmem>>, vector<1x1x16xf32>,
      %get3A_199 = vector.shape_cast %get3A_198 : vector<1x1x16xf32> to vector<16xf32>
      %mul3A_200 = arith.constant 5.65685415 : f32
      %mul3A_201 = vector.broadcast %mul3A_200 : f32 to vector<16xf32>
      %mul3A_202 = arith.mulf %get3A_199, %mul3A_201 : vector<16xf32>
      %swap3A_203 = arith.constant 1 : i32
      %swap3A_204 = arith.index_cast %swap3A_203 : i32 to index
      %swap3A_205 = arith.index_cast %add3A_193 : i32 to index
      %swap3A_206 = arith.constant 0 : index
      %swap3A_207 = tpu.vector_load %arg6[%swap3A_204, %swap3A_205, %swap3A_206] {strides = array<i32>} : memref<2x1280x32xf32, #tpu.memory_space<vmem>>, vector<1x1x16xf32>,
      %swap3A_208 = vector.shape_cast %swap3A_207 : vector<1x1x16xf32> to vector<16xf32>
      %swap3A_209 = vector.shape_cast %mul3A_202 : vector<16xf32> to vector<1x1x16xf32>
      tpu.vector_store %arg6[%swap3A_204, %swap3A_205, %swap3A_206], %swap3A_209 {strides = array<i32>} : memref<2x1280x32xf32, #tpu.memory_space<vmem>>, vector<1x1x16xf32>,
      %get3A_210 = arith.constant 1 : i32
      %get3A_211 = arith.index_cast %get3A_210 : i32 to index
      %get3A_212 = arith.index_cast %add3A_193 : i32 to index
      %get3A_213 = arith.constant 16 : index
      %get3A_214 = tpu.vector_load %arg6[%get3A_211, %get3A_212, %get3A_213] {strides = array<i32>} : memref<2x1280x32xf32, #tpu.memory_space<vmem>>, vector<1x1x16xf32>,
      %get3A_215 = vector.shape_cast %get3A_214 : vector<1x1x16xf32> to vector<16xf32>
      %mul3A_216 = arith.constant 5.65685415 : f32
      %mul3A_217 = vector.broadcast %mul3A_216 : f32 to vector<16xf32>
      %mul3A_218 = arith.mulf %get3A_215, %mul3A_217 : vector<16xf32>
      %swap3A_219 = arith.constant 1 : i32
      %swap3A_220 = arith.index_cast %swap3A_219 : i32 to index
      %swap3A_221 = arith.index_cast %add3A_193 : i32 to index
      %swap3A_222 = arith.constant 16 : index
      %swap3A_223 = tpu.vector_load %arg6[%swap3A_220, %swap3A_221, %swap3A_222] {strides = array<i32>} : memref<2x1280x32xf32, #tpu.memory_space<vmem>>, vector<1x1x16xf32>,
      %swap3A_224 = vector.shape_cast %swap3A_223 : vector<1x1x16xf32> to vector<16xf32>
      %swap3A_225 = vector.shape_cast %mul3A_218 : vector<16xf32> to vector<1x1x16xf32>
      tpu.vector_store %arg6[%swap3A_220, %swap3A_221, %swap3A_222], %swap3A_225 {strides = array<i32>} : memref<2x1280x32xf32, #tpu.memory_space<vmem>>, vector<1x1x16xf32>,
      %scan3A_226 = arith.constant 3 : i32
      %scan3A_227 = arith.addi %scan3A_115, %scan3A_226 : i32
      %mul3A_228 = arith.constant 1 : i32
      %mul3A_229 = arith.muli %scan3A_227, %mul3A_228 : i32
      %add3A_230 = arith.constant 0 : i32
      %add3A_231 = arith.addi %add3A_230, %mul3A_229 : i32
      %get3A_232 = arith.constant 1 : i32
      %get3A_233 = arith.index_cast %get3A_232 : i32 to index
      %get3A_234 = arith.index_cast %add3A_231 : i32 to index
      %get3A_235 = arith.constant 0 : index
      %get3A_236 = tpu.vector_load %arg6[%get3A_233, %get3A_234, %get3A_235] {strides = array<i32>} : memref<2x1280x32xf32, #tpu.memory_space<vmem>>, vector<1x1x16xf32>,
      %get3A_237 = vector.shape_cast %get3A_236 : vector<1x1x16xf32> to vector<16xf32>
      %mul3A_238 = arith.constant 5.65685415 : f32
      %mul3A_239 = vector.broadcast %mul3A_238 : f32 to vector<16xf32>
      %mul3A_240 = arith.mulf %get3A_237, %mul3A_239 : vector<16xf32>
      %swap3A_241 = arith.constant 1 : i32
      %swap3A_242 = arith.index_cast %swap3A_241 : i32 to index
      %swap3A_243 = arith.index_cast %add3A_231 : i32 to index
      %swap3A_244 = arith.constant 0 : index
      %swap3A_245 = tpu.vector_load %arg6[%swap3A_242, %swap3A_243, %swap3A_244] {strides = array<i32>} : memref<2x1280x32xf32, #tpu.memory_space<vmem>>, vector<1x1x16xf32>,
      %swap3A_246 = vector.shape_cast %swap3A_245 : vector<1x1x16xf32> to vector<16xf32>
      %swap3A_247 = vector.shape_cast %mul3A_240 : vector<16xf32> to vector<1x1x16xf32>
      tpu.vector_store %arg6[%swap3A_242, %swap3A_243, %swap3A_244], %swap3A_247 {strides = array<i32>} : memref<2x1280x32xf32, #tpu.memory_space<vmem>>, vector<1x1x16xf32>,
      %get3A_248 = arith.constant 1 : i32
      %get3A_249 = arith.index_cast %get3A_248 : i32 to index
      %get3A_250 = arith.index_cast %add3A_231 : i32 to index
      %get3A_251 = arith.constant 16 : index
      %get3A_252 = tpu.vector_load %arg6[%get3A_249, %get3A_250, %get3A_251] {strides = array<i32>} : memref<2x1280x32xf32, #tpu.memory_space<vmem>>, vector<1x1x16xf32>,
      %get3A_253 = vector.shape_cast %get3A_252 : vector<1x1x16xf32> to vector<16xf32>
      %mul3A_254 = arith.constant 5.65685415 : f32
      %mul3A_255 = vector.broadcast %mul3A_254 : f32 to vector<16xf32>
      %mul3A_256 = arith.mulf %get3A_253, %mul3A_255 : vector<16xf32>
      %swap3A_257 = arith.constant 1 : i32
      %swap3A_258 = arith.index_cast %swap3A_257 : i32 to index
      %swap3A_259 = arith.index_cast %add3A_231 : i32 to index
      %swap3A_260 = arith.constant 16 : index
      %swap3A_261 = tpu.vector_load %arg6[%swap3A_258, %swap3A_259, %swap3A_260] {strides = array<i32>} : memref<2x1280x32xf32, #tpu.memory_space<vmem>>, vector<1x1x16xf32>,
      %swap3A_262 = vector.shape_cast %swap3A_261 : vector<1x1x16xf32> to vector<16xf32>
      %swap3A_263 = vector.shape_cast %mul3A_256 : vector<16xf32> to vector<1x1x16xf32>
      tpu.vector_store %arg6[%swap3A_258, %swap3A_259, %swap3A_260], %swap3A_263 {strides = array<i32>} : memref<2x1280x32xf32, #tpu.memory_space<vmem>>, vector<1x1x16xf32>,
      %scan3A_264 = arith.constant 4 : i32
      %scan3A_265 = arith.addi %scan3A_115, %scan3A_264 : i32
      %mul3A_266 = arith.constant 1 : i32
      %mul3A_267 = arith.muli %scan3A_265, %mul3A_266 : i32
      %add3A_268 = arith.constant 0 : i32
      %add3A_269 = arith.addi %add3A_268, %mul3A_267 : i32
      %get3A_270 = arith.constant 1 : i32
      %get3A_271 = arith.index_cast %get3A_270 : i32 to index
      %get3A_272 = arith.index_cast %add3A_269 : i32 to index
      %get3A_273 = arith.constant 0 : index
      %get3A_274 = tpu.vector_load %arg6[%get3A_271, %get3A_272, %get3A_273] {strides = array<i32>} : memref<2x1280x32xf32, #tpu.memory_space<vmem>>, vector<1x1x16xf32>,
      %get3A_275 = vector.shape_cast %get3A_274 : vector<1x1x16xf32> to vector<16xf32>
      %mul3A_276 = arith.constant 5.65685415 : f32
      %mul3A_277 = vector.broadcast %mul3A_276 : f32 to vector<16xf32>
      %mul3A_278 = arith.mulf %get3A_275, %mul3A_277 : vector<16xf32>
      %swap3A_279 = arith.constant 1 : i32
      %swap3A_280 = arith.index_cast %swap3A_279 : i32 to index
      %swap3A_281 = arith.index_cast %add3A_269 : i32 to index
      %swap3A_282 = arith.constant 0 : index
      %swap3A_283 = tpu.vector_load %arg6[%swap3A_280, %swap3A_281, %swap3A_282] {strides = array<i32>} : memref<2x1280x32xf32, #tpu.memory_space<vmem>>, vector<1x1x16xf32>,
      %swap3A_284 = vector.shape_cast %swap3A_283 : vector<1x1x16xf32> to vector<16xf32>
      %swap3A_285 = vector.shape_cast %mul3A_278 : vector<16xf32> to vector<1x1x16xf32>
      tpu.vector_store %arg6[%swap3A_280, %swap3A_281, %swap3A_282], %swap3A_285 {strides = array<i32>} : memref<2x1280x32xf32, #tpu.memory_space<vmem>>, vector<1x1x16xf32>,
      %get3A_286 = arith.constant 1 : i32
      %get3A_287 = arith.index_cast %get3A_286 : i32 to index
      %get3A_288 = arith.index_cast %add3A_269 : i32 to index
      %get3A_289 = arith.constant 16 : index
      %get3A_290 = tpu.vector_load %arg6[%get3A_287, %get3A_288, %get3A_289] {strides = array<i32>} : memref<2x1280x32xf32, #tpu.memory_space<vmem>>, vector<1x1x16xf32>,
      %get3A_291 = vector.shape_cast %get3A_290 : vector<1x1x16xf32> to vector<16xf32>
      %mul3A_292 = arith.constant 5.65685415 : f32
      %mul3A_293 = vector.broadcast %mul3A_292 : f32 to vector<16xf32>
      %mul3A_294 = arith.mulf %get3A_291, %mul3A_293 : vector<16xf32>
      %swap3A_295 = arith.constant 1 : i32
      %swap3A_296 = arith.index_cast %swap3A_295 : i32 to index
      %swap3A_297 = arith.index_cast %add3A_269 : i32 to index
      %swap3A_298 = arith.constant 16 : index
      %swap3A_299 = tpu.vector_load %arg6[%swap3A_296, %swap3A_297, %swap3A_298] {strides = array<i32>} : memref<2x1280x32xf32, #tpu.memory_space<vmem>>, vector<1x1x16xf32>,
      %swap3A_300 = vector.shape_cast %swap3A_299 : vector<1x1x16xf32> to vector<16xf32>
      %swap3A_301 = vector.shape_cast %mul3A_294 : vector<16xf32> to vector<1x1x16xf32>
      tpu.vector_store %arg6[%swap3A_296, %swap3A_297, %swap3A_298], %swap3A_301 {strides = array<i32>} : memref<2x1280x32xf32, #tpu.memory_space<vmem>>, vector<1x1x16xf32>,
      %scan3A_302 = arith.constant 5 : i32
      %scan3A_303 = arith.addi %scan3A_115, %scan3A_302 : i32
      %mul3A_304 = arith.constant 1 : i32
      %mul3A_305 = arith.muli %scan3A_303, %mul3A_304 : i32
      %add3A_306 = arith.constant 0 : i32
      %add3A_307 = arith.addi %add3A_306, %mul3A_305 : i32
      %get3A_308 = arith.constant 1 : i32
      %get3A_309 = arith.index_cast %get3A_308 : i32 to index
      %get3A_310 = arith.index_cast %add3A_307 : i32 to index
      %get3A_311 = arith.constant 0 : index
      %get3A_312 = tpu.vector_load %arg6[%get3A_309, %get3A_310, %get3A_311] {strides = array<i32>} : memref<2x1280x32xf32, #tpu.memory_space<vmem>>, vector<1x1x16xf32>,
      %get3A_313 = vector.shape_cast %get3A_312 : vector<1x1x16xf32> to vector<16xf32>
      %mul3A_314 = arith.constant 5.65685415 : f32
      %mul3A_315 = vector.broadcast %mul3A_314 : f32 to vector<16xf32>
      %mul3A_316 = arith.mulf %get3A_313, %mul3A_315 : vector<16xf32>
      %swap3A_317 = arith.constant 1 : i32
      %swap3A_318 = arith.index_cast %swap3A_317 : i32 to index
      %swap3A_319 = arith.index_cast %add3A_307 : i32 to index
      %swap3A_320 = arith.constant 0 : index
      %swap3A_321 = tpu.vector_load %arg6[%swap3A_318, %swap3A_319, %swap3A_320] {strides = array<i32>} : memref<2x1280x32xf32, #tpu.memory_space<vmem>>, vector<1x1x16xf32>,
      %swap3A_322 = vector.shape_cast %swap3A_321 : vector<1x1x16xf32> to vector<16xf32>
      %swap3A_323 = vector.shape_cast %mul3A_316 : vector<16xf32> to vector<1x1x16xf32>
      tpu.vector_store %arg6[%swap3A_318, %swap3A_319, %swap3A_320], %swap3A_323 {strides = array<i32>} : memref<2x1280x32xf32, #tpu.memory_space<vmem>>, vector<1x1x16xf32>,
      %get3A_324 = arith.constant 1 : i32
      %get3A_325 = arith.index_cast %get3A_324 : i32 to index
      %get3A_326 = arith.index_cast %add3A_307 : i32 to index
      %get3A_327 = arith.constant 16 : index
      %get3A_328 = tpu.vector_load %arg6[%get3A_325, %get3A_326, %get3A_327] {strides = array<i32>} : memref<2x1280x32xf32, #tpu.memory_space<vmem>>, vector<1x1x16xf32>,
      %get3A_329 = vector.shape_cast %get3A_328 : vector<1x1x16xf32> to vector<16xf32>
      %mul3A_330 = arith.constant 5.65685415 : f32
      %mul3A_331 = vector.broadcast %mul3A_330 : f32 to vector<16xf32>
      %mul3A_332 = arith.mulf %get3A_329, %mul3A_331 : vector<16xf32>
      %swap3A_333 = arith.constant 1 : i32
      %swap3A_334 = arith.index_cast %swap3A_333 : i32 to index
      %swap3A_335 = arith.index_cast %add3A_307 : i32 to index
      %swap3A_336 = arith.constant 16 : index
      %swap3A_337 = tpu.vector_load %arg6[%swap3A_334, %swap3A_335, %swap3A_336] {strides = array<i32>} : memref<2x1280x32xf32, #tpu.memory_space<vmem>>, vector<1x1x16xf32>,
      %swap3A_338 = vector.shape_cast %swap3A_337 : vector<1x1x16xf32> to vector<16xf32>
      %swap3A_339 = vector.shape_cast %mul3A_332 : vector<16xf32> to vector<1x1x16xf32>
      tpu.vector_store %arg6[%swap3A_334, %swap3A_335, %swap3A_336], %swap3A_339 {strides = array<i32>} : memref<2x1280x32xf32, #tpu.memory_space<vmem>>, vector<1x1x16xf32>,
      %scan3A_340 = arith.constant 6 : i32
      %scan3A_341 = arith.addi %scan3A_115, %scan3A_340 : i32
      %mul3A_342 = arith.constant 1 : i32
      %mul3A_343 = arith.muli %scan3A_341, %mul3A_342 : i32
      %add3A_344 = arith.constant 0 : i32
      %add3A_345 = arith.addi %add3A_344, %mul3A_343 : i32
      %get3A_346 = arith.constant 1 : i32
      %get3A_347 = arith.index_cast %get3A_346 : i32 to index
      %get3A_348 = arith.index_cast %add3A_345 : i32 to index
      %get3A_349 = arith.constant 0 : index
      %get3A_350 = tpu.vector_load %arg6[%get3A_347, %get3A_348, %get3A_349] {strides = array<i32>} : memref<2x1280x32xf32, #tpu.memory_space<vmem>>, vector<1x1x16xf32>,
      %get3A_351 = vector.shape_cast %get3A_350 : vector<1x1x16xf32> to vector<16xf32>
      %mul3A_352 = arith.constant 5.65685415 : f32
      %mul3A_353 = vector.broadcast %mul3A_352 : f32 to vector<16xf32>
      %mul3A_354 = arith.mulf %get3A_351, %mul3A_353 : vector<16xf32>
      %swap3A_355 = arith.constant 1 : i32
      %swap3A_356 = arith.index_cast %swap3A_355 : i32 to index
      %swap3A_357 = arith.index_cast %add3A_345 : i32 to index
      %swap3A_358 = arith.constant 0 : index
      %swap3A_359 = tpu.vector_load %arg6[%swap3A_356, %swap3A_357, %swap3A_358] {strides = array<i32>} : memref<2x1280x32xf32, #tpu.memory_space<vmem>>, vector<1x1x16xf32>,
      %swap3A_360 = vector.shape_cast %swap3A_359 : vector<1x1x16xf32> to vector<16xf32>
      %swap3A_361 = vector.shape_cast %mul3A_354 : vector<16xf32> to vector<1x1x16xf32>
      tpu.vector_store %arg6[%swap3A_356, %swap3A_357, %swap3A_358], %swap3A_361 {strides = array<i32>} : memref<2x1280x32xf32, #tpu.memory_space<vmem>>, vector<1x1x16xf32>,
      %get3A_362 = arith.constant 1 : i32
      %get3A_363 = arith.index_cast %get3A_362 : i32 to index
      %get3A_364 = arith.index_cast %add3A_345 : i32 to index
      %get3A_365 = arith.constant 16 : index
      %get3A_366 = tpu.vector_load %arg6[%get3A_363, %get3A_364, %get3A_365] {strides = array<i32>} : memref<2x1280x32xf32, #tpu.memory_space<vmem>>, vector<1x1x16xf32>,
      %get3A_367 = vector.shape_cast %get3A_366 : vector<1x1x16xf32> to vector<16xf32>
      %mul3A_368 = arith.constant 5.65685415 : f32
      %mul3A_369 = vector.broadcast %mul3A_368 : f32 to vector<16xf32>
      %mul3A_370 = arith.mulf %get3A_367, %mul3A_369 : vector<16xf32>
      %swap3A_371 = arith.constant 1 : i32
      %swap3A_372 = arith.index_cast %swap3A_371 : i32 to index
      %swap3A_373 = arith.index_cast %add3A_345 : i32 to index
      %swap3A_374 = arith.constant 16 : index
      %swap3A_375 = tpu.vector_load %arg6[%swap3A_372, %swap3A_373, %swap3A_374] {strides = array<i32>} : memref<2x1280x32xf32, #tpu.memory_space<vmem>>, vector<1x1x16xf32>,
      %swap3A_376 = vector.shape_cast %swap3A_375 : vector<1x1x16xf32> to vector<16xf32>
      %swap3A_377 = vector.shape_cast %mul3A_370 : vector<16xf32> to vector<1x1x16xf32>
      tpu.vector_store %arg6[%swap3A_372, %swap3A_373, %swap3A_374], %swap3A_377 {strides = array<i32>} : memref<2x1280x32xf32, #tpu.memory_space<vmem>>, vector<1x1x16xf32>,
      %scan3A_378 = arith.constant 7 : i32
      %scan3A_379 = arith.addi %scan3A_115, %scan3A_378 : i32
      %mul3A_380 = arith.constant 1 : i32
      %mul3A_381 = arith.muli %scan3A_379, %mul3A_380 : i32
      %add3A_382 = arith.constant 0 : i32
      %add3A_383 = arith.addi %add3A_382, %mul3A_381 : i32
      %get3A_384 = arith.constant 1 : i32
      %get3A_385 = arith.index_cast %get3A_384 : i32 to index
      %get3A_386 = arith.index_cast %add3A_383 : i32 to index
      %get3A_387 = arith.constant 0 : index
      %get3A_388 = tpu.vector_load %arg6[%get3A_385, %get3A_386, %get3A_387] {strides = array<i32>} : memref<2x1280x32xf32, #tpu.memory_space<vmem>>, vector<1x1x16xf32>,
      %get3A_389 = vector.shape_cast %get3A_388 : vector<1x1x16xf32> to vector<16xf32>
      %mul3A_390 = arith.constant 5.65685415 : f32
      %mul3A_391 = vector.broadcast %mul3A_390 : f32 to vector<16xf32>
      %mul3A_392 = arith.mulf %get3A_389, %mul3A_391 : vector<16xf32>
      %swap3A_393 = arith.constant 1 : i32
      %swap3A_394 = arith.index_cast %swap3A_393 : i32 to index
      %swap3A_395 = arith.index_cast %add3A_383 : i32 to index
      %swap3A_396 = arith.constant 0 : index
      %swap3A_397 = tpu.vector_load %arg6[%swap3A_394, %swap3A_395, %swap3A_396] {strides = array<i32>} : memref<2x1280x32xf32, #tpu.memory_space<vmem>>, vector<1x1x16xf32>,
      %swap3A_398 = vector.shape_cast %swap3A_397 : vector<1x1x16xf32> to vector<16xf32>
      %swap3A_399 = vector.shape_cast %mul3A_392 : vector<16xf32> to vector<1x1x16xf32>
      tpu.vector_store %arg6[%swap3A_394, %swap3A_395, %swap3A_396], %swap3A_399 {strides = array<i32>} : memref<2x1280x32xf32, #tpu.memory_space<vmem>>, vector<1x1x16xf32>,
      %get3A_400 = arith.constant 1 : i32
      %get3A_401 = arith.index_cast %get3A_400 : i32 to index
      %get3A_402 = arith.index_cast %add3A_383 : i32 to index
      %get3A_403 = arith.constant 16 : index
      %get3A_404 = tpu.vector_load %arg6[%get3A_401, %get3A_402, %get3A_403] {strides = array<i32>} : memref<2x1280x32xf32, #tpu.memory_space<vmem>>, vector<1x1x16xf32>,
      %get3A_405 = vector.shape_cast %get3A_404 : vector<1x1x16xf32> to vector<16xf32>
      %mul3A_406 = arith.constant 5.65685415 : f32
      %mul3A_407 = vector.broadcast %mul3A_406 : f32 to vector<16xf32>
      %mul3A_408 = arith.mulf %get3A_405, %mul3A_407 : vector<16xf32>
      %swap3A_409 = arith.constant 1 : i32
      %swap3A_410 = arith.index_cast %swap3A_409 : i32 to index
      %swap3A_411 = arith.index_cast %add3A_383 : i32 to index
      %swap3A_412 = arith.constant 16 : index
      %swap3A_413 = tpu.vector_load %arg6[%swap3A_410, %swap3A_411, %swap3A_412] {strides = array<i32>} : memref<2x1280x32xf32, #tpu.memory_space<vmem>>, vector<1x1x16xf32>,
      %swap3A_414 = vector.shape_cast %swap3A_413 : vector<1x1x16xf32> to vector<16xf32>
      %swap3A_415 = vector.shape_cast %mul3A_408 : vector<16xf32> to vector<1x1x16xf32>
      tpu.vector_store %arg6[%swap3A_410, %swap3A_411, %swap3A_412], %swap3A_415 {strides = array<i32>} : memref<2x1280x32xf32, #tpu.memory_space<vmem>>, vector<1x1x16xf32>,
    }
    %scan3A_69 = arith.constant 1280 : i32
    %add3A_70 = arith.constant 24320 : i32
    %add3A_71 = arith.addi %mul3A_2, %add3A_70 : i32
    %dma_start3A_72 = arith.constant 1 : i32
    %dma_start3A_73 = arith.constant 0 : i32
    %dma_start3A_74 = arith.constant 0 : i32
    %dma_start3A_75 = tpu.memref_slice %arg6[%dma_start3A_72, %dma_start3A_73, %dma_start3A_74] : memref<2x1280x32xf32, #tpu.memory_space<vmem>> -> memref<1x1280x32xf32, #tpu.memory_space<vmem>>
    %dma_start3A_76 = tpu.memref_squeeze %dma_start3A_75 : memref<1x1280x32xf32, #tpu.memory_space<vmem>> -> memref<1280x32xf32, #tpu.memory_space<vmem>>
    %dma_start3A_77 = arith.constant 0 : i32
    %dma_start3A_78 = tpu.memref_slice %arg4[%add3A_71, %dma_start3A_77] : memref<819200x32xf32, #tpu.memory_space<hbm>> -> memref<1280x32xf32, #tpu.memory_space<hbm>>
    %dma_start3A_79 = arith.constant 0 : i32
    %dma_start3A_80 = tpu.memref_slice %arg4[%add3A_71, %dma_start3A_79] : memref<819200x32xf32, #tpu.memory_space<hbm>> -> memref<1280x32xf32, #tpu.memory_space<hbm>>
    %dma_start3A_81 = arith.constant 0 : i32
    %dma_start3A_82 = arith.constant 0 : i32
    %dma_start3A_83 = tpu.memref_slice %arg6[%dma_start3A_72, %dma_start3A_81, %dma_start3A_82] : memref<2x1280x32xf32, #tpu.memory_space<vmem>> -> memref<1x1280x32xf32, #tpu.memory_space<vmem>>
    %dma_start3A_84 = tpu.memref_squeeze %dma_start3A_83 : memref<1x1280x32xf32, #tpu.memory_space<vmem>> -> memref<1280x32xf32, #tpu.memory_space<vmem>>
    tpu.enqueue_dma source(%dma_start3A_84 : memref<1280x32xf32, #tpu.memory_space<vmem>>) target(%dma_start3A_80 : memref<1280x32xf32, #tpu.memory_space<hbm>>) target_semaphore(%arg10 : memref<!tpu.dma_semaphore, #tpu.memory_space<semaphore_mem>>)
    %add3A_85 = arith.constant 23040 : i32
    %add3A_86 = arith.addi %mul3A_2, %add3A_85 : i32
    %dma_wait3A_87 = arith.constant 0 : i32
    %dma_wait3A_88 = arith.constant 0 : i32
    %dma_wait3A_89 = arith.constant 0 : i32
    %dma_wait3A_90 = tpu.memref_slice %arg6[%dma_wait3A_87, %dma_wait3A_88, %dma_wait3A_89] : memref<2x1280x32xf32, #tpu.memory_space<vmem>> -> memref<1x1280x32xf32, #tpu.memory_space<vmem>>
    %dma_wait3A_91 = tpu.memref_squeeze %dma_wait3A_90 : memref<1x1280x32xf32, #tpu.memory_space<vmem>> -> memref<1280x32xf32, #tpu.memory_space<vmem>>
    %dma_wait3A_92 = arith.constant 0 : i32
    %dma_wait3A_93 = tpu.memref_slice %arg4[%add3A_86, %dma_wait3A_92] : memref<819200x32xf32, #tpu.memory_space<hbm>> -> memref<1280x32xf32, #tpu.memory_space<hbm>>
    %dma_wait3A_94 = arith.constant 0 : i32
    %dma_wait3A_95 = tpu.memref_slice %arg4[%add3A_86, %dma_wait3A_94] : memref<819200x32xf32, #tpu.memory_space<hbm>> -> memref<1280x32xf32, #tpu.memory_space<hbm>>
    %dma_wait3A_96 = arith.constant 0 : i32
    %dma_wait3A_97 = arith.constant 0 : i32
    %dma_wait3A_98 = tpu.memref_slice %arg6[%dma_wait3A_87, %dma_wait3A_96, %dma_wait3A_97] : memref<2x1280x32xf32, #tpu.memory_space<vmem>> -> memref<1x1280x32xf32, #tpu.memory_space<vmem>>
    %dma_wait3A_99 = tpu.memref_squeeze %dma_wait3A_98 : memref<1x1280x32xf32, #tpu.memory_space<vmem>> -> memref<1280x32xf32, #tpu.memory_space<vmem>>
    tpu.wait_dma2 semaphore(%arg9 : memref<!tpu.dma_semaphore, #tpu.memory_space<semaphore_mem>>) src(%dma_wait3A_99 : memref<1280x32xf32, #tpu.memory_space<vmem>>) dst(%dma_wait3A_95 : memref<1280x32xf32, #tpu.memory_space<hbm>>)
    %add3A_100 = arith.constant 24320 : i32
    %add3A_101 = arith.addi %mul3A_2, %add3A_100 : i32
    %dma_wait3A_102 = arith.constant 1 : i32
    %dma_wait3A_103 = arith.constant 0 : i32
    %dma_wait3A_104 = arith.constant 0 : i32
    %dma_wait3A_105 = tpu.memref_slice %arg6[%dma_wait3A_102, %dma_wait3A_103, %dma_wait3A_104] : memref<2x1280x32xf32, #tpu.memory_space<vmem>> -> memref<1x1280x32xf32, #tpu.memory_space<vmem>>
    %dma_wait3A_106 = tpu.memref_squeeze %dma_wait3A_105 : memref<1x1280x32xf32, #tpu.memory_space<vmem>> -> memref<1280x32xf32, #tpu.memory_space<vmem>>
    %dma_wait3A_107 = arith.constant 0 : i32
    %dma_wait3A_108 = tpu.memref_slice %arg4[%add3A_101, %dma_wait3A_107] : memref<819200x32xf32, #tpu.memory_space<hbm>> -> memref<1280x32xf32, #tpu.memory_space<hbm>>
    %dma_wait3A_109 = arith.constant 0 : i32
    %dma_wait3A_110 = tpu.memref_slice %arg4[%add3A_101, %dma_wait3A_109] : memref<819200x32xf32, #tpu.memory_space<hbm>> -> memref<1280x32xf32, #tpu.memory_space<hbm>>
    %dma_wait3A_111 = arith.constant 0 : i32
    %dma_wait3A_112 = arith.constant 0 : i32
    %dma_wait3A_113 = tpu.memref_slice %arg6[%dma_wait3A_102, %dma_wait3A_111, %dma_wait3A_112] : memref<2x1280x32xf32, #tpu.memory_space<vmem>> -> memref<1x1280x32xf32, #tpu.memory_space<vmem>>
    %dma_wait3A_114 = tpu.memref_squeeze %dma_wait3A_113 : memref<1x1280x32xf32, #tpu.memory_space<vmem>> -> memref<1280x32xf32, #tpu.memory_space<vmem>>
    tpu.wait_dma2 semaphore(%arg10 : memref<!tpu.dma_semaphore, #tpu.memory_space<semaphore_mem>>) src(%dma_wait3A_114 : memref<1280x32xf32, #tpu.memory_space<vmem>>) dst(%dma_wait3A_110 : memref<1280x32xf32, #tpu.memory_space<hbm>>)
    return
  }
}

</mosaic_0001>

<sc_bundles>
// kernel: kernel.3.cloned.1.call-start
scs
__scs_entry_jumppad:
0x0: {  	(pc) =	sbr.rel $0x88, $3  }
0x1: {  	(tag) =	ssettag $0x0;
	lr =	simm.s32 $0x1  }
0x2: {  	[smem:$0x3F9F] =	sst lr;
	_ =	strace $0xD0000000  }
0x3: {  	_ = 	snop  }
0x4: {  	_ = 	snop  }
0x5: {  	_ = 	snop  }
0x6: {  	_ = 	snop  }
0x7: {  	_ = 	snop  }
__scs_overlays_trampoline_lowered:
0x8: {  	[smem:$0x3FAE] =	sst s0  }
0x9: {  	[smem:$0x3FAF] =	sst s1  }
0xa: {  	[smem:$0x3FB0] =	sst s2  }
0xb: {  	[smem:$0x3FB1] =	sst s3  }
0xc: {  	[smem:$0x3FB2] =	sst s4  }
0xd: {  	[smem:$0x3FB3] =	sst s5  }
0xe: {  	[smem:$0x3FB4] =	sst s6  }
0xf: {  	[smem:$0x3FB5] =	sst s7  }
0x10: {  	[smem:$0x3FB6] =	sst s8  }
0x11: {  	[smem:$0x3FB7] =	sst s9;
	s0 =	simm.s32 @!p0 $0x0  }
0x12: {  	s1 =	sld [smem:$0x3F9D];
	s0 =	simm.s32 @p0 $0x1  }
0x13: {  	[smem:$0x3FB8] =	sst s0;
	s0 =	simm.s32 @!p1 $0x0  }
0x14: {  	s2 =	sld [smem:$0x3F9C];
	s0 =	simm.s32 @p1 $0x1  }
0x15: {  	[smem:$0x3FB9] =	sst s0;
	s0 =	simm.s32 @!p2 $0x0  }
0x16: {  	s3 =	sld [smem:$0x3FDB];
	s0 =	simm.s32 @p2 $0x1  }
0x17: {  	s4 =	simm.s32 $0x1BF5;
	[smem:$0x3FBB] =	sst s0  }
0x18: {  	s0 =	sld [smem:$0x3F9E];
	_ =	swait.ge [sflag:s4], $0x0  }
0x19: {  	s7 =	sld [smem:$0x3F9F]  }
0x1a: {  	s8 =	sadd.s32 $0xFFFFE003, lr  }
0x1b: {  	s9 =	sadd.s32 $0xFFFFFEF7, lr;
	s5 =	simm.s32 $0xFFFFFFFF;
	p2 =	slt.u32 s8, $0xFFFFF086  }
0x1c: {  	p1 =	slt.u32 s9, $0xF7A;
	s5 =	simm.s32 @!p2 $0x0  }
0x1d: {  	s5 =	simm.s32 @p1 $0x1;
	p0 =	seq.s32 s7, s2  }
0x1e: {  	s7 =	smul.u32 @!p0 $0xF7A, s2;
	p2 =	seq.s32 @!p0 s5, $0x0  }
0x1f: {  	s9 =	smul.u32 $0xF7A, s1;
	s8 =	simm.s32 @!p0 $0x1BF5;
	p2 =	por !p2, p0  }
0x20: {  	[sflag:s8] =	ssyncset.s32 @!p0 $0xFFFFF086;
	s6 =	sadd.s32 @!p0 s3, s7;
	s7 =	simm.s32 @!p0 $0x108  }
0x21: {  	s3 =	sadd.s32 s3, s9;
	s6 =	sadd.s32 @!p0 $0x88, s6;
	s7 =	simm.s32 @p2 $0x1082  }
0x22: {  	[simem:s7], [sflag:s8] =	dma.local @!p0 [hbm:s6], $0xF7A  }
0x23: {  	s9 =	sor.u32 $0xD0000000, s2;
	s6 =	simm.s32 $0x108;
	_ =	swait.ge @!p0 [sflag:s8], $0x0  }
0x24: {  	s3 =	sadd.s32 $0x88, s3;
	s6 =	simm.s32 @!p1 $0x1082;
	[sflag:s4] =	ssyncset.s32 $0xFFFFF086  }
0x25: {  	[simem:s6], [sflag:s4] =	dma.local [hbm:s3], $0xF7A  }
0x26: {  	[smem:$0x3F9F] =	sst s1;
	(tag) =	ssettag s2;
	_ =	strace s9  }
0x27: {  	s1 =	sld [smem:$0x3FAF]  }
0x28: {  	s2 =	sld [smem:$0x3FB0]  }
0x29: {  	s4 =	sld [smem:$0x3FB2]  }
0x2a: {  	p0 =	seq.s32 s5, $0x0;
	s5 =	sld [smem:$0x3FB3]  }
0x2b: {  	s6 =	sld [smem:$0x3FB4]  }
0x2c: {  	s7 =	sld [smem:$0x3FB5]  }
0x2d: {  	s3 =	simm.s32 $0x108;
	s8 =	sld [smem:$0x3FB6]  }
0x2e: {  	s3 =	simm.s32 @!p0 $0x1082;
	s9 =	sld [smem:$0x3FB7]  }
0x2f: {  	lr =	sadd.s32 s0, s3;
	s0 =	sld [smem:$0x3FAE]  }
0x30: {  	s3 =	sld [smem:$0x3FB1]  }
0x31: {  	[smem:$0x3FBA] =	sst s10  }
0x32: {  	s10 =	sld [smem:$0x3FB8];
	_ =	sdelay $0x3  }
0x33: {  	p0 =	seq.s32 s10, $0x1;
	s10 =	sld [smem:$0x3FBA];
	_ =	sdelay $0x3  }
0x34: {  	[smem:$0x3FBA] =	sst s10  }
0x35: {  	s10 =	sld [smem:$0x3FB9];
	_ =	sdelay $0x3  }
0x36: {  	p1 =	seq.s32 s10, $0x1;
	s10 =	sld [smem:$0x3FBA];
	_ =	sdelay $0x3  }
0x37: {  	[smem:$0x3FBA] =	sst s10  }
0x38: {  	s10 =	sld [smem:$0x3FBB]  }
0x39: {  	_ = 	snop;
	(pc) =	sbr.ind lr, $3  }
0x3a: {  	_ = 	snop  }
0x3b: {  	_ = 	snop  }
0x3c: {  	p2 =	seq.s32 s10, $0x1;
	s10 =	sld [smem:$0x3FBA]  }
0x3d: {  	_ =	shalt  }
0x3e: {  	_ =	shalt  }
0x3f: {  	_ =	shalt  }
0x40: {  	_ =	shalt  }
0x41: {  	_ =	shalt  }
0x42: {  	_ =	shalt  }
0x43: {  	_ =	shalt  }
0x44: {  	_ =	shalt  }
0x45: {  	_ =	shalt  }
0x46: {  	_ =	shalt  }
0x47: {  	_ =	shalt  }
0x48: {  	_ =	shalt  }
0x49: {  	_ =	shalt  }
0x4a: {  	_ =	shalt  }
0x4b: {  	_ =	shalt  }
0x4c: {  	_ =	shalt  }
0x4d: {  	_ =	shalt  }
0x4e: {  	_ =	shalt  }
0x4f: {  	_ =	shalt  }
0x50: {  	_ =	shalt  }
0x51: {  	_ =	shalt  }
0x52: {  	_ =	shalt  }
0x53: {  	_ =	shalt  }
0x54: {  	_ =	shalt  }
0x55: {  	_ =	shalt  }
0x56: {  	_ =	shalt  }
0x57: {  	_ =	shalt  }
0x58: {  	_ =	shalt  }
0x59: {  	_ =	shalt  }
0x5a: {  	_ =	shalt  }
0x5b: {  	_ =	shalt  }
0x5c: {  	_ =	shalt  }
0x5d: {  	_ =	shalt  }
0x5e: {  	_ =	shalt  }
0x5f: {  	_ =	shalt  }
0x60: {  	_ =	shalt  }
0x61: {  	_ =	shalt  }
0x62: {  	_ =	shalt  }
0x63: {  	_ =	shalt  }
0x64: {  	_ =	shalt  }
0x65: {  	_ =	shalt  }
0x66: {  	_ =	shalt  }
0x67: {  	_ =	shalt  }
0x68: {  	_ =	shalt  }
0x69: {  	_ =	shalt  }
0x6a: {  	_ =	shalt  }
0x6b: {  	_ =	shalt  }
0x6c: {  	_ =	shalt  }
0x6d: {  	_ =	shalt  }
0x6e: {  	_ =	shalt  }
0x6f: {  	_ =	shalt  }
0x70: {  	_ =	shalt  }
0x71: {  	_ =	shalt  }
0x72: {  	_ =	shalt  }
0x73: {  	_ =	shalt  }
0x74: {  	_ =	shalt  }
0x75: {  	_ =	shalt  }
0x76: {  	_ =	shalt  }
0x77: {  	_ =	shalt  }
0x78: {  	_ =	shalt  }
0x79: {  	_ =	shalt  }
0x7a: {  	_ =	shalt  }
0x7b: {  	_ =	shalt  }
0x7c: {  	_ =	shalt  }
0x7d: {  	_ =	shalt  }
0x7e: {  	_ =	shalt  }
0x7f: {  	_ =	shalt  }
0x80: {  	_ =	shalt  }
0x81: {  	_ =	shalt  }
0x82: {  	_ =	shalt  }
0x83: {  	_ =	shalt  }
0x84: {  	_ =	shalt  }
0x85: {  	_ =	shalt  }
0x86: {  	_ =	shalt  }
0x87: {  	_ =	shalt  }
.Lfunc_end0:
.L_simem_size_0:
called_computation.1_lowered:
.L_overlay_start_0:
0x88: {  	s2 =	sld [smem:$0x3FD9]  }
0x89: {  	s3 =	sld [smem:$0x3FFE];
	_ =	sdelay $0x1  }
0x8a: {  	s1 =	srdreg.scid  }
0x8b: {  	s0 =	sand.u32 $0x1, s1  }
0x8c: {  	s17 =	sshll.u32 s0, $0xA;
	s2 =	sadd.s32 s3, s2  }
0x8d: {  	s2 =	sadd.s32 s2, s17  }
0x8e: {  	[smem:$0x3FC6] =	sst s2  }
0x8f: {  	_ = 	snop  }
0x90: {  	s2 =	sld [smem:$0x3FD0];
	(tm) =	ssettm $0x1  }
0x91: {  	s18 =	sld [smem:$0x3FFB];
	_ =	sdelay $0x3  }
0x92: {  	_ =	strace s18  }
0x93: {  	s3 =	sld [smem:$0x3FFC];
	_ =	sdelay $0x3  }
0x94: {  	_ =	strace s3  }
0x95: {  	s3 =	sld [smem:$0x3FFD];
	_ =	sdelay $0x3  }
0x96: {  	_ =	strace s3  }
0x97: {  	_ =	strace $0x8FFFFFFF  }
0x98: {  	s19 =	sld [smem:$0x3FDB];
	_ =	sdelay $0x1  }
0x99: {  	s4 =	simm.s32 $_scs_section_size  }
0x9a: {  	s5 =	simm.s32 $_size__tile_overlayer_lowered;
	s6 =	simm.s32 $_tile_overlayer_lowered  }
0x9b: {  	s22 =	simm.s32 $0x1BFF;
	s21 =	sshll.u32 s6, $0x1;
	s3 =	sadd.s32 s4, s19  }
0x9c: {  	s7 =	simm.s32 $0x0;
	s20 =	sshll.u32 s5, $0x1;
	s5 =	sadd.s32 s21, s3  }
0x9d: {  	[timem:s7], [sflag:s22] =	dma.local [hbm:s5], s20  }
0x9e: {  	_ =	swait.ge [sflag:s22], s20  }
0x9f: {  	s4 =	ssub.s32 $0x0, s20;
	[sflag:s22] =	ssyncset.done $0x0  }
0xa0: {  	[sflag:s22] =	ssyncadd.s32 s4;
	_ =	sdelay $0x1  }
0xa1: {  	s23 =	simm.s32 $0x1B8B  }
0xa2: {  	_ =	swait.ge [sflag:s23], $0x1  }
0xa3: {  	[sflag:s23] =	ssyncset.done $0x0  }
0xa4: {  	s25 =	simm.s32 $0x1B8E;
	s24 =	sld [smem:$0x3FFE];
	[sflag:s23] =	ssyncadd.s32 $0xFFFFFFFF  }
0xa5: {  	s26 =	simm.s32 $execute0_lowered;
	[smem:$0x3FD2] =	sst s25  }
0xa6: {  	s5 =	sshll.u32 s26, $0x1;
	_ =	strace $0x80000046;
	[dreg:$0x1] =	wrdreg $0xFFFFFFFF  }
0xa7: {  	s28 =	simm.s32 $_size_execute0_lowered;
	s3 =	sadd.s32 s3, s5;
	[dreg:$0x0] =	wrdreg $0x0  }
0xa8: {  	s5 =	sshll.u32 s28, $0x1;
	[dreg:$0x2] =	wrdreg s3  }
0xa9: {  	[dreg:$0x3] =	wrdreg s5  }
0xaa: {  	[dreg:$0x4] =	wrdreg $0xC0  }
0xab: {  	_ =	task [dreg:s7], $0x5FFFF  }
0xac: {  	[dreg:$0x1] =	wrdreg $0xFFFFFFFF  }
0xad: {  	[dreg:$0x0] =	wrdreg $0x60  }
0xae: {  	[dreg:$0x2] =	wrdreg s24  }
0xaf: {  	[dreg:$0x3] =	wrdreg s2  }
0xb0: {  	[dreg:$0x4] =	wrdreg $0x9  }
0xb1: {  	_ =	task.clear_ibuf [dreg:s7], $0x5FFFF;
	_ =	strace $0x90000046  }
0xb2: {  	s29 =	simm.s32 $0x9;
	_ =	strace $0x80000048  }
0xb3: {  	_ =	swait.ge [sflag:s29], $0x1  }
0xb4: {  	[sflag:s29] =	ssyncadd.s32 $0xFFFFFFFF  }
0xb5: {  	_ =	strace $0x90000048  }
0xb6: {  	_ =	sfence  }
0xb7: {  	s30 =	sld [smem:$0x0];
	_ =	sdelay $0x2  }
0xb8: {  	s31 =	sshll.u32 s1, $0xD;
	s1 =	sshrl.u32 s1, $0x2  }
0xb9: {  	s3 =	sand.u32 $0x4000, s31;
	s1 =	sadd.s32 s1, s30  }
0xba: {  	s0 =	sor.u32 s3, s0;
	s1 =	sshll.u32 s1, $0x11  }
0xbb: {  	s0 =	sor.u32 s1, s0  }
0xbc: {  	s0 =	sadd.s32 $0x8F2B, s0  }
0xbd: {  	[sflag:s0] =	ssyncadd.remote.s32 $0x1  }
0xbe: {  	_ =	sfence.sel $0xFFFF  }
0xbf: {  	[dreg:$0x0] =	wrdreg $0xFFFFFFFF;
	(pc) =	sbr.abs _section_cstart, $3  }
0xc0: {  	[dreg:$0x1] =	wrdreg $0xFFFFFFFF  }
0xc1: {  	_ =	task.clear_ibuf [dreg:s7], $0x2FFFF;
	_ =	strace $0x9FFFFFFF  }
0xc2: {  	(tm) =	ssettm $0x7FFFFFFF  }
0xc3: {  	_ =	shalt  }
tec
execute0_lowered:
.L_overlay_start_1:
0x0: {  	(tag) =	ssettag $0x1  }
0x1: {  	s1 =	srdreg.scid;
	s5 =	rddreg [dreg:$0x0]  }
0x2: {  	s0 =	stileid.u32;
	s2 =	rddreg [dreg:$0x1];
	s3 =	simm.s32 $0x0  }
0x3: {  	s11 =	simm.s32 $0x5;
	s12 =	simm.s32 $0x500;
	s13 =	simm.s32 $0x6400  }
0x4: {  	s14 =	simm.s32 $0x10400;
	s15 =	simm.s32 $0x1;
	s16 =	simm.s32 $0x3  }
0x5: {  	s17 =	simm.s32 $0x2;
	s6 =	sand.u32 $0x1, s1;
	s30 =	sshll.u32 s0, $0x1  }
0x6: {  	s18 =	simm.s32 $0x4;
	s19 =	simm.s32 $0x0;
	s7 =	sor.u32 s6, s30  }
0x7: {  	s1 =	rddreg [dreg:$0x2];
	s6 =	ssub.s32 $0x2, s6;
	s4 =	smul.u32 $0x6400, s7  }
0x8: {  	[smem:$0x7FF] =	sst s3;
	s7 =	smul.u32 $0xC8000, s7;
	s9 =	sshrl.u32 s6, $0x1  }
0x9: {  	_ =	strace $0x80000047;
	s10 =	ssub.s32 s6, s9;
	s8 =	sshrl.u32 s4, $0x3  }
0xa: {  	s31 =	sshrl.u32 s7, $0x3;
	s7 =	sadd.s32 $0x500, s4;
	s10 =	smax.u32 s10, $0x1  }
0xb: {  	s8 =	sadd.s32 s8, s5;
	s5 =	sadd.s32 $0xF42E00, s5;
	s9 =	sadd.s32 s2, s31  }
0xc: {  	s6 =	sadd.s32 $0xA00, s8;
	s8 =	sadd.s32 $0x16800, s9;
	s9 =	sadd.s32 $0x17C00, s9  }
.LBB2_1:
0xd: {  	[tilespmem:s3], [sflag:$0x5] =	stream.linear.gather [hbm4b:s6+s3], $0x6400, $0x38;
	[tilespmem:$0x1A400] =	vst v63  }
0xe: {  	_ =	swait.ge [sflag:s11], $0x6400  }
0xf: {  	[sflag:s11] =	ssyncset.done $0x0  }
0x10: {  	[sflag:s11] =	ssyncadd.s32 $0xFFFF9C00  }
0x11: {  	[tilespmem:s13], [sflag:$0x1] =	stream.indirect.gather [hbm4b:s5+s12], $0x20, s3, s12, $0xb8;
	[tilespmem:$0x1A400] =	vst v63  }
0x12: {  	s20 =	simm.s32 $0x0  }
0x13: {  	[tilespmem:s14], [sflag:$0x2] =	stream.indirect.gather [hbm4b:s5+s12], $0x20, s12, s12, $0xb8;
	[tilespmem:$0x1A400] =	vst v63  }
.LBB2_2:
0x14: {  	_ =	swait.ge [sflag:s15], $0xA000  }
0x15: {  	[sflag:s15] =	ssyncset.done $0x0  }
0x16: {  	s22 =	simm.s32 $0x6480;
	[sflag:s15] =	ssyncadd.s32 $0xFFFF6000  }
0x17: {  	v0 =	vld [tilespmem:s22+$0xFFFFFF80]  }
0x18: {  	v1 =	vld [tilespmem:s22+$0xFFFFFF90]  }
0x19: {  	v2 =	vld [tilespmem:s22+$0xFFFFFFA0]  }
0x1a: {  	v3 =	vld [tilespmem:s22+$0xFFFFFFB0]  }
0x1b: {  	v4 =	vld [tilespmem:s22+$0xFFFFFFC0]  }
0x1c: {  	v5 =	vld [tilespmem:s22+$0xFFFFFFD0];
	v0 =	vmul.f32 $5.656854150e+00, v0  }
0x1d: {  	v6 =	vld [tilespmem:s22+$0xFFFFFFE0];
	v1 =	vmul.f32 $5.656854150e+00, v1  }
0x1e: {  	[tilespmem:s22+$0xFFFFFF80] =	vst v0;
	v0 =	vmul.f32 $5.656854150e+00, v2;
	v2 =	vld [tilespmem:s22+$0x0]  }
0x1f: {  	[tilespmem:s22+$0xFFFFFF90] =	vst v1;
	v1 =	vmul.f32 $5.656854150e+00, v3;
	v3 =	vld [tilespmem:s22+$0x10]  }
0x20: {  	[tilespmem:s22+$0xFFFFFFA0] =	vst v0;
	v0 =	vmul.f32 $5.656854150e+00, v4;
	v4 =	vld [tilespmem:s22+$0x20]  }
0x21: {  	v7 =	vld [tilespmem:s22+$0x30];
	[tilespmem:s22+$0xFFFFFFB0] =	vst v1;
	v1 =	vmul.f32 $5.656854150e+00, v5  }
0x22: {  	v5 =	vmul.f32 $5.656854150e+00, v6;
	[tilespmem:s22+$0xFFFFFFC0] =	vst v0;
	v0 =	vld [tilespmem:s22+$0x40]  }
0x23: {  	[tilespmem:s22+$0xFFFFFFD0] =	vst v1;
	v1 =	vmul.f32 $5.656854150e+00, v2;
	v2 =	vld [tilespmem:s22+$0x50]  }
0x24: {  	[tilespmem:s22+$0xFFFFFFE0] =	vst v5;
	v6 =	vmul.f32 $5.656854150e+00, v3;
	v3 =	vld [tilespmem:s22+$0x60]  }
0x25: {  	[tilespmem:s22+$0x0] =	vst v1;
	v5 =	vmul.f32 $5.656854150e+00, v4;
	v4 =	vld [tilespmem:s22+$0x70]  }
0x26: {  	s21 =	simm.s32 $0x0;
	s23 =	simm.s32 $0x6580;
	v1 =	vld [tilespmem:s22+$0xFFFFFFF0];
	[tilespmem:s22+$0x10] =	vst v6;
	v6 =	vmul.f32 $5.656854150e+00, v7  }
.LBB2_3:
0x27: {  	v7 =	vld [tilespmem:s23+$0xFFFFFF80];
	[tilespmem:s22+$0x20] =	vst v5;
	v0 =	vmul.f32 $5.656854150e+00, v0  }
0x28: {  	v5 =	vld [tilespmem:s23+$0xFFFFFF90];
	[tilespmem:s22+$0x30] =	vst v6;
	v2 =	vmul.f32 $5.656854150e+00, v2  }
0x29: {  	v6 =	vld [tilespmem:s23+$0xFFFFFFA0];
	[tilespmem:s22+$0x40] =	vst v0;
	v0 =	vmul.f32 $5.656854150e+00, v3  }
0x2a: {  	v3 =	vld [tilespmem:s23+$0xFFFFFFB0];
	[tilespmem:s22+$0x50] =	vst v2;
	v2 =	vmul.f32 $5.656854150e+00, v4  }
0x2b: {  	v4 =	vld [tilespmem:s23+$0xFFFFFFC0];
	v1 =	vmul.f32 $5.656854150e+00, v1;
	[tilespmem:s22+$0x60] =	vst v0  }
0x2c: {  	v0 =	vmul.f32 $5.656854150e+00, v7;
	v7 =	vld [tilespmem:s23+$0xFFFFFFD0];
	[tilespmem:s22+$0x70] =	vst v2  }
0x2d: {  	v2 =	vmul.f32 $5.656854150e+00, v5;
	v5 =	vld [tilespmem:s23+$0xFFFFFFE0];
	[tilespmem:s22+$0xFFFFFFF0] =	vst v1;
	s22 =	smov.u32 s23  }
0x2e: {  	[tilespmem:s23+$0xFFFFFF80] =	vst v0;
	v0 =	vmul.f32 $5.656854150e+00, v6;
	v1 =	vld [tilespmem:s23+$0x0]  }
0x2f: {  	[tilespmem:s23+$0xFFFFFF90] =	vst v2;
	v2 =	vmul.f32 $5.656854150e+00, v3;
	v3 =	vld [tilespmem:s23+$0x10]  }
0x30: {  	s21 =	sadd.s32 $0x8, s21;
	[tilespmem:s23+$0xFFFFFFA0] =	vst v0;
	v0 =	vmul.f32 $5.656854150e+00, v4;
	v4 =	vld [tilespmem:s23+$0x20]  }
0x31: {  	p0 =	slt.u32 s21, $0x4F8;
	[tilespmem:s23+$0xFFFFFFB0] =	vst v2;
	v2 =	vmul.f32 $5.656854150e+00, v7;
	v6 =	vld [tilespmem:s23+$0x30]  }
.Ltmp0:
0x32: {  	[tilespmem:s23+$0xFFFFFFC0] =	vst v0;
	v5 =	vmul.f32 $5.656854150e+00, v5;
	v0 =	vld [tilespmem:s23+$0x40];
	(pc) =	sbr.rel @p0 .LBB2_3-.Ltmp0, $4  }
0x33: {  	[tilespmem:s23+$0xFFFFFFD0] =	vst v2;
	v1 =	vmul.f32 $5.656854150e+00, v1;
	v2 =	vld [tilespmem:s23+$0x50]  }
0x34: {  	[tilespmem:s23+$0xFFFFFFE0] =	vst v5;
	v7 =	vmul.f32 $5.656854150e+00, v3;
	v3 =	vld [tilespmem:s23+$0x60]  }
0x35: {  	[tilespmem:s23+$0x0] =	vst v1;
	v5 =	vmul.f32 $5.656854150e+00, v4;
	v4 =	vld [tilespmem:s23+$0x70]  }
0x36: {  	s23 =	sadd.s32 $0x100, s23;
	v1 =	vld [tilespmem:s22+$0xFFFFFFF0];
	[tilespmem:s22+$0x10] =	vst v7;
	v6 =	vmul.f32 $5.656854150e+00, v6  }
0x37: {  	[tilespmem:s22+$0x20] =	vst v5;
	v0 =	vmul.f32 $5.656854150e+00, v0  }
0x38: {  	[tilespmem:s22+$0x30] =	vst v6;
	v2 =	vmul.f32 $5.656854150e+00, v2  }
0x39: {  	s21 =	smul.u32 $0xA00, s20;
	[tilespmem:s22+$0x40] =	vst v0;
	v0 =	vmul.f32 $5.656854150e+00, v3  }
0x3a: {  	[tilespmem:s22+$0x50] =	vst v2;
	v2 =	vmul.f32 $5.656854150e+00, v4  }
0x3b: {  	s23 =	sadd.s32 s4, s21;
	v1 =	vmul.f32 $5.656854150e+00, v1;
	[tilespmem:s22+$0x60] =	vst v0  }
0x3c: {  	s23 =	sshll.u32 s23, $0x2;
	[tilespmem:s22+$0x70] =	vst v2  }
0x3d: {  	s30 =	smul.u32 $0x2800, s20;
	s29 =	sadd.s32 s2, s23;
	[tilespmem:s22+$0xFFFFFFF0] =	vst v1  }
0x3e: {  	[hbm4b:s29+s3] =	stream.linear.scatter [tilespmem:s13], [sflag:$0x3], $0xA000, $0x38;
	[tilespmem:$0x1A400] =	vst v63  }
0x3f: {  	_ =	swait.ge [sflag:s16], $0xA000  }
0x40: {  	s22 =	sshra.s32 s30, $0x2;
	[sflag:s16] =	ssyncset.done $0x0  }
0x41: {  	s31 =	sadd.s32 $0xA00, s22;
	[sflag:s16] =	ssyncadd.s32 $0xFFFF6000  }
0x42: {  	[tilespmem:s13], [sflag:$0x1] =	stream.indirect.gather [hbm4b:s5+s12], $0x20, s31, s12, $0xb8;
	[tilespmem:$0x1A400] =	vst v63  }
0x43: {  	_ =	swait.ge [sflag:s17], $0xA000  }
0x44: {  	[sflag:s17] =	ssyncset.done $0x0  }
0x45: {  	s23 =	simm.s32 $0x10400;
	[sflag:s17] =	ssyncadd.s32 $0xFFFF6000  }
0x46: {  	v1 =	vld [tilespmem:s23+$0xA0]  }
0x47: {  	v2 =	vld [tilespmem:s23+$0x40]  }
0x48: {  	v3 =	vld [tilespmem:s23+$0xE0]  }
0x49: {  	v4 =	vld [tilespmem:s23+$0xD0]  }
0x4a: {  	v5 =	vld [tilespmem:s23+$0x20]  }
0x4b: {  	v0 =	vld [tilespmem:s23+$0x90]  }
0x4c: {  	v8 =	vld [tilespmem:s23+$0xC0]  }
0x4d: {  	v7 =	vld [tilespmem:s23+$0x10]  }
0x4e: {  	v9 =	vld [tilespmem:s23+$0x0];
	v1 =	vmul.f32 $5.656854150e+00, v1  }
0x4f: {  	v11 =	vld [tilespmem:s23+$0x50];
	v4 =	vmul.f32 $5.656854150e+00, v4  }
0x50: {  	v10 =	vld [tilespmem:s23+$0xB0];
	v12 =	vmul.f32 $5.656854150e+00, v5;
	[tilespmem:s23+$0xA0] =	vst v1  }
0x51: {  	v6 =	vld [tilespmem:s23+$0xF0];
	v13 =	vmul.f32 $5.656854150e+00, v8;
	[tilespmem:s23+$0xD0] =	vst v4  }
0x52: {  	v1 =	vmul.f32 $5.656854150e+00, v2;
	v2 =	vmul.f32 $5.656854150e+00, v3;
	v3 =	vld [tilespmem:s23+$0x80];
	[tilespmem:s23+$0x20] =	vst v12  }
0x53: {  	v4 =	vld [tilespmem:s23+$0x70];
	[tilespmem:s23+$0xC0] =	vst v13  }
0x54: {  	v8 =	vmul.f32 $5.656854150e+00, v9;
	v5 =	vld [tilespmem:s23+$0x60];
	v9 =	vmul.f32 $5.656854150e+00, v11;
	[tilespmem:s23+$0x40] =	vst v1  }
0x55: {  	s24 =	simm.s32 $0x0;
	s25 =	simm.s32 $0x10500;
	[tilespmem:s23+$0xE0] =	vst v2;
	v1 =	vmul.f32 $5.656854150e+00, v7;
	v7 =	vld [tilespmem:s23+$0x30];
	v2 =	vmul.f32 $5.656854150e+00, v10  }
.LBB2_5:
0x56: {  	v10 =	vld [tilespmem:s25+$0xA0];
	s24 =	sadd.s32 $0x8, s24;
	[tilespmem:s23+$0x0] =	vst v8;
	v0 =	vmul.f32 $5.656854150e+00, v0;
	v6 =	vmul.f32 $5.656854150e+00, v6  }
0x57: {  	v8 =	vld [tilespmem:s25+$0x40];
	p0 =	slt.u32 s24, $0x4F8;
	[tilespmem:s23+$0x50] =	vst v9;
	v3 =	vmul.f32 $5.656854150e+00, v3  }
0x58: {  	v9 =	vld [tilespmem:s25+$0xE0];
	v4 =	vmul.f32 $5.656854150e+00, v4;
	[tilespmem:s23+$0xF0] =	vst v6  }
0x59: {  	v11 =	vld [tilespmem:s25+$0x20];
	v5 =	vmul.f32 $5.656854150e+00, v5;
	[tilespmem:s23+$0x80] =	vst v3  }
0x5a: {  	v3 =	vld [tilespmem:s25+$0xD0];
	v6 =	vmul.f32 $5.656854150e+00, v7;
	[tilespmem:s23+$0x90] =	vst v0  }
0x5b: {  	v0 =	vld [tilespmem:s25+$0x90];
	v7 =	vmul.f32 $5.656854150e+00, v10;
	[tilespmem:s23+$0x10] =	vst v1  }
0x5c: {  	v1 =	vld [tilespmem:s25+$0x10];
	[tilespmem:s23+$0x30] =	vst v6  }
0x5d: {  	v10 =	vld [tilespmem:s25+$0xC0];
	v9 =	vmul.f32 $5.656854150e+00, v9;
	[tilespmem:s23+$0xB0] =	vst v2  }
0x5e: {  	v2 =	vld [tilespmem:s25+$0x0];
	[tilespmem:s23+$0x70] =	vst v4  }
0x5f: {  	v12 =	vld [tilespmem:s25+$0xB0];
	v3 =	vmul.f32 $5.656854150e+00, v3;
	[tilespmem:s23+$0x60] =	vst v5;
	s23 =	smov.u32 s25  }
0x60: {  	v13 =	vld [tilespmem:s25+$0x50];
	[tilespmem:s25+$0xA0] =	vst v7  }
.Ltmp1:
0x61: {  	v4 =	vmul.f32 $5.656854150e+00, v8;
	[tilespmem:s25+$0xD0] =	vst v3;
	v6 =	vld [tilespmem:s25+$0xF0];
	(pc) =	sbr.rel @p0 .LBB2_5-.Ltmp1, $4  }
0x62: {  	v3 =	vld [tilespmem:s25+$0x80];
	v7 =	vmul.f32 $5.656854150e+00, v10;
	[tilespmem:s25+$0xE0] =	vst v9  }
0x63: {  	v9 =	vmul.f32 $5.656854150e+00, v11;
	[tilespmem:s25+$0x40] =	vst v4;
	v4 =	vld [tilespmem:s25+$0x70]  }
0x64: {  	v1 =	vmul.f32 $5.656854150e+00, v1;
	v8 =	vmul.f32 $5.656854150e+00, v2;
	v5 =	vld [tilespmem:s25+$0x60];
	[tilespmem:s25+$0xC0] =	vst v7  }
0x65: {  	v2 =	vmul.f32 $5.656854150e+00, v12;
	s25 =	sadd.s32 $0x100, s25;
	[tilespmem:s23+$0x20] =	vst v9;
	v7 =	vld [tilespmem:s23+$0x30];
	v9 =	vmul.f32 $5.656854150e+00, v13  }
0x66: {  	[tilespmem:s23+$0x0] =	vst v8  }
0x67: {  	[tilespmem:s23+$0x10] =	vst v1  }
0x68: {  	v6 =	vmul.f32 $5.656854150e+00, v6;
	[tilespmem:s23+$0x50] =	vst v9  }
0x69: {  	v0 =	vmul.f32 $5.656854150e+00, v0;
	[tilespmem:s23+$0xB0] =	vst v2  }
0x6a: {  	v3 =	vmul.f32 $5.656854150e+00, v3;
	[tilespmem:s23+$0xF0] =	vst v6  }
0x6b: {  	[tilespmem:s23+$0x90] =	vst v0;
	v62 =	vmul.f32 $5.656854150e+00, v4  }
0x6c: {  	s21 =	sadd.s32 s21, s7;
	[tilespmem:s23+$0x80] =	vst v3;
	v63 =	vmul.f32 $5.656854150e+00, v5  }
0x6d: {  	s21 =	sshll.u32 s21, $0x2;
	v61 =	vmul.f32 $5.656854150e+00, v7;
	[tilespmem:s23+$0x70] =	vst v62  }
0x6e: {  	s20 =	sadd.s32 $0x1, s20;
	s21 =	sand.u32 $0x1FFFFC00, s21;
	[tilespmem:s23+$0x60] =	vst v63  }
0x6f: {  	p0 =	sne.s32 s20, $0x9;
	s21 =	sadd.s32 s2, s21;
	[tilespmem:s23+$0x30] =	vst v61  }
0x70: {  	[hbm4b:s21+s3] =	stream.linear.scatter [tilespmem:s14], [sflag:$0x4], $0xA000, $0x38;
	[tilespmem:$0x1A400] =	vst v63  }
.Ltmp2:
0x71: {  	_ = 	snop;
	(pc) =	sbr.rel @p0 .LBB2_2-.Ltmp2, $4  }
0x72: {  	_ =	swait.ge [sflag:s18], $0xA000  }
0x73: {  	[sflag:s18] =	ssyncset.done $0x0  }
0x74: {  	s31 =	sadd.s32 $0xF00, s22;
	[sflag:s18] =	ssyncadd.s32 $0xFFFF6000  }
0x75: {  	[tilespmem:s14], [sflag:$0x2] =	stream.indirect.gather [hbm4b:s5+s12], $0x20, s31, s12, $0xb8;
	[tilespmem:$0x1A400] =	vst v63  }
0x76: {  	_ =	swait.ge [sflag:s15], $0xA000  }
0x77: {  	[sflag:s15] =	ssyncset.done $0x0  }
0x78: {  	s20 =	simm.s32 $0x6480;
	[sflag:s15] =	ssyncadd.s32 $0xFFFF6000  }
0x79: {  	v0 =	vld [tilespmem:s20+$0xFFFFFF80]  }
0x7a: {  	v1 =	vld [tilespmem:s20+$0xFFFFFF90]  }
0x7b: {  	v2 =	vld [tilespmem:s20+$0xFFFFFFA0]  }
0x7c: {  	v3 =	vld [tilespmem:s20+$0xFFFFFFB0]  }
0x7d: {  	v4 =	vld [tilespmem:s20+$0xFFFFFFC0]  }
0x7e: {  	v5 =	vld [tilespmem:s20+$0xFFFFFFD0];
	v0 =	vmul.f32 $5.656854150e+00, v0  }
0x7f: {  	v6 =	vld [tilespmem:s20+$0xFFFFFFE0];
	v1 =	vmul.f32 $5.656854150e+00, v1  }
0x80: {  	[tilespmem:s20+$0xFFFFFF80] =	vst v0;
	v0 =	vmul.f32 $5.656854150e+00, v2;
	v2 =	vld [tilespmem:s20+$0x0]  }
0x81: {  	[tilespmem:s20+$0xFFFFFF90] =	vst v1;
	v1 =	vmul.f32 $5.656854150e+00, v3;
	v3 =	vld [tilespmem:s20+$0x10]  }
0x82: {  	[tilespmem:s20+$0xFFFFFFA0] =	vst v0;
	v0 =	vmul.f32 $5.656854150e+00, v4;
	v4 =	vld [tilespmem:s20+$0x20]  }
0x83: {  	v7 =	vld [tilespmem:s20+$0x30];
	[tilespmem:s20+$0xFFFFFFB0] =	vst v1;
	v1 =	vmul.f32 $5.656854150e+00, v5  }
0x84: {  	v5 =	vmul.f32 $5.656854150e+00, v6;
	[tilespmem:s20+$0xFFFFFFC0] =	vst v0;
	v0 =	vld [tilespmem:s20+$0x40]  }
0x85: {  	[tilespmem:s20+$0xFFFFFFD0] =	vst v1;
	v1 =	vld [tilespmem:s20+$0x50];
	v2 =	vmul.f32 $5.656854150e+00, v2  }
0x86: {  	[tilespmem:s20+$0xFFFFFFE0] =	vst v5;
	v6 =	vmul.f32 $5.656854150e+00, v3;
	v3 =	vld [tilespmem:s20+$0x60]  }
0x87: {  	[tilespmem:s20+$0x0] =	vst v2;
	v5 =	vmul.f32 $5.656854150e+00, v4;
	v4 =	vld [tilespmem:s20+$0x70]  }
0x88: {  	s21 =	simm.s32 $0x0;
	s22 =	simm.s32 $0x6580;
	v2 =	vld [tilespmem:s20+$0xFFFFFFF0];
	[tilespmem:s20+$0x10] =	vst v6;
	v6 =	vmul.f32 $5.656854150e+00, v7  }
.LBB2_8:
0x89: {  	v7 =	vld [tilespmem:s22+$0xFFFFFF80];
	[tilespmem:s20+$0x20] =	vst v5;
	v0 =	vmul.f32 $5.656854150e+00, v0  }
0x8a: {  	v5 =	vld [tilespmem:s22+$0xFFFFFF90];
	[tilespmem:s20+$0x30] =	vst v6;
	v1 =	vmul.f32 $5.656854150e+00, v1  }
0x8b: {  	v6 =	vld [tilespmem:s22+$0xFFFFFFA0];
	[tilespmem:s20+$0x40] =	vst v0;
	v0 =	vmul.f32 $5.656854150e+00, v3  }
0x8c: {  	v3 =	vld [tilespmem:s22+$0xFFFFFFB0];
	[tilespmem:s20+$0x50] =	vst v1;
	v1 =	vmul.f32 $5.656854150e+00, v4  }
0x8d: {  	v4 =	vld [tilespmem:s22+$0xFFFFFFC0];
	v2 =	vmul.f32 $5.656854150e+00, v2;
	[tilespmem:s20+$0x60] =	vst v0  }
0x8e: {  	v0 =	vmul.f32 $5.656854150e+00, v7;
	v7 =	vld [tilespmem:s22+$0xFFFFFFD0];
	[tilespmem:s20+$0x70] =	vst v1  }
0x8f: {  	v1 =	vmul.f32 $5.656854150e+00, v5;
	v5 =	vld [tilespmem:s22+$0xFFFFFFE0];
	[tilespmem:s20+$0xFFFFFFF0] =	vst v2;
	s20 =	smov.u32 s22  }
0x90: {  	[tilespmem:s22+$0xFFFFFF80] =	vst v0;
	v0 =	vmul.f32 $5.656854150e+00, v6;
	v2 =	vld [tilespmem:s22+$0x0]  }
0x91: {  	[tilespmem:s22+$0xFFFFFF90] =	vst v1;
	v1 =	vmul.f32 $5.656854150e+00, v3;
	v3 =	vld [tilespmem:s22+$0x10]  }
0x92: {  	s21 =	sadd.s32 $0x8, s21;
	[tilespmem:s22+$0xFFFFFFA0] =	vst v0;
	v0 =	vmul.f32 $5.656854150e+00, v4;
	v4 =	vld [tilespmem:s22+$0x20]  }
0x93: {  	p0 =	slt.u32 s21, $0x4F8;
	[tilespmem:s22+$0xFFFFFFB0] =	vst v1;
	v1 =	vmul.f32 $5.656854150e+00, v7;
	v6 =	vld [tilespmem:s22+$0x30]  }
.Ltmp3:
0x94: {  	[tilespmem:s22+$0xFFFFFFC0] =	vst v0;
	v5 =	vmul.f32 $5.656854150e+00, v5;
	v0 =	vld [tilespmem:s22+$0x40];
	(pc) =	sbr.rel @p0 .LBB2_8-.Ltmp3, $4  }
0x95: {  	[tilespmem:s22+$0xFFFFFFD0] =	vst v1;
	v2 =	vmul.f32 $5.656854150e+00, v2;
	v1 =	vld [tilespmem:s22+$0x50]  }
0x96: {  	[tilespmem:s22+$0xFFFFFFE0] =	vst v5;
	v7 =	vmul.f32 $5.656854150e+00, v3;
	v3 =	vld [tilespmem:s22+$0x60]  }
0x97: {  	[tilespmem:s22+$0x0] =	vst v2;
	v5 =	vmul.f32 $5.656854150e+00, v4;
	v4 =	vld [tilespmem:s22+$0x70]  }
0x98: {  	s22 =	sadd.s32 $0x100, s22;
	v2 =	vld [tilespmem:s20+$0xFFFFFFF0];
	[tilespmem:s20+$0x10] =	vst v7;
	v6 =	vmul.f32 $5.656854150e+00, v6  }
0x99: {  	[tilespmem:s20+$0x20] =	vst v5;
	v0 =	vmul.f32 $5.656854150e+00, v0  }
0x9a: {  	[tilespmem:s20+$0x30] =	vst v6;
	v1 =	vmul.f32 $5.656854150e+00, v1  }
0x9b: {  	[tilespmem:s20+$0x40] =	vst v0;
	v0 =	vmul.f32 $5.656854150e+00, v3  }
0x9c: {  	[tilespmem:s20+$0x50] =	vst v1;
	v1 =	vmul.f32 $5.656854150e+00, v4  }
0x9d: {  	v2 =	vmul.f32 $5.656854150e+00, v2;
	[tilespmem:s20+$0x60] =	vst v0  }
0x9e: {  	[tilespmem:s20+$0x70] =	vst v1  }
0x9f: {  	[tilespmem:s20+$0xFFFFFFF0] =	vst v2  }
0xa0: {  	[hbm4b:s8+s3] =	stream.linear.scatter [tilespmem:s13], [sflag:$0x3], $0xA000, $0x38;
	[tilespmem:$0x1A400] =	vst v63  }
0xa1: {  	_ =	swait.ge [sflag:s17], $0xA000  }
0xa2: {  	[sflag:s17] =	ssyncset.done $0x0  }
0xa3: {  	s20 =	simm.s32 $0x10400;
	[sflag:s17] =	ssyncadd.s32 $0xFFFF6000  }
0xa4: {  	v1 =	vld [tilespmem:s20+$0xA0]  }
0xa5: {  	v2 =	vld [tilespmem:s20+$0x40]  }
0xa6: {  	v3 =	vld [tilespmem:s20+$0xE0]  }
0xa7: {  	v4 =	vld [tilespmem:s20+$0xD0]  }
0xa8: {  	v5 =	vld [tilespmem:s20+$0x20]  }
0xa9: {  	v0 =	vld [tilespmem:s20+$0x90]  }
0xaa: {  	v8 =	vld [tilespmem:s20+$0xC0]  }
0xab: {  	v7 =	vld [tilespmem:s20+$0x10]  }
0xac: {  	v9 =	vld [tilespmem:s20+$0x0];
	v1 =	vmul.f32 $5.656854150e+00, v1  }
0xad: {  	v11 =	vld [tilespmem:s20+$0x50];
	v4 =	vmul.f32 $5.656854150e+00, v4  }
0xae: {  	v10 =	vld [tilespmem:s20+$0xB0];
	v12 =	vmul.f32 $5.656854150e+00, v5;
	[tilespmem:s20+$0xA0] =	vst v1  }
0xaf: {  	v6 =	vld [tilespmem:s20+$0xF0];
	v13 =	vmul.f32 $5.656854150e+00, v8;
	[tilespmem:s20+$0xD0] =	vst v4  }
0xb0: {  	v1 =	vmul.f32 $5.656854150e+00, v2;
	v2 =	vmul.f32 $5.656854150e+00, v3;
	v3 =	vld [tilespmem:s20+$0x80];
	[tilespmem:s20+$0x20] =	vst v12  }
0xb1: {  	v4 =	vld [tilespmem:s20+$0x70];
	[tilespmem:s20+$0xC0] =	vst v13  }
0xb2: {  	v8 =	vmul.f32 $5.656854150e+00, v9;
	v5 =	vld [tilespmem:s20+$0x60];
	v9 =	vmul.f32 $5.656854150e+00, v11;
	[tilespmem:s20+$0x40] =	vst v1  }
0xb3: {  	s21 =	simm.s32 $0x0;
	s22 =	simm.s32 $0x10500;
	[tilespmem:s20+$0xE0] =	vst v2;
	v1 =	vmul.f32 $5.656854150e+00, v7;
	v7 =	vld [tilespmem:s20+$0x30];
	v2 =	vmul.f32 $5.656854150e+00, v10  }
.LBB2_10:
0xb4: {  	v10 =	vld [tilespmem:s22+$0xA0];
	s21 =	sadd.s32 $0x8, s21;
	[tilespmem:s20+$0x0] =	vst v8;
	v0 =	vmul.f32 $5.656854150e+00, v0;
	v6 =	vmul.f32 $5.656854150e+00, v6  }
0xb5: {  	v8 =	vld [tilespmem:s22+$0x40];
	p0 =	slt.u32 s21, $0x4F8;
	[tilespmem:s20+$0x50] =	vst v9;
	v3 =	vmul.f32 $5.656854150e+00, v3  }
0xb6: {  	v9 =	vld [tilespmem:s22+$0xE0];
	v4 =	vmul.f32 $5.656854150e+00, v4;
	[tilespmem:s20+$0xF0] =	vst v6  }
0xb7: {  	v11 =	vld [tilespmem:s22+$0x20];
	v5 =	vmul.f32 $5.656854150e+00, v5;
	[tilespmem:s20+$0x80] =	vst v3  }
0xb8: {  	v3 =	vld [tilespmem:s22+$0xD0];
	v6 =	vmul.f32 $5.656854150e+00, v7;
	[tilespmem:s20+$0x90] =	vst v0  }
0xb9: {  	v0 =	vld [tilespmem:s22+$0x90];
	v7 =	vmul.f32 $5.656854150e+00, v10;
	[tilespmem:s20+$0x10] =	vst v1  }
0xba: {  	v1 =	vld [tilespmem:s22+$0x10];
	[tilespmem:s20+$0x30] =	vst v6  }
0xbb: {  	v10 =	vld [tilespmem:s22+$0xC0];
	v9 =	vmul.f32 $5.656854150e+00, v9;
	[tilespmem:s20+$0xB0] =	vst v2  }
0xbc: {  	v2 =	vld [tilespmem:s22+$0x0];
	[tilespmem:s20+$0x70] =	vst v4  }
0xbd: {  	v12 =	vld [tilespmem:s22+$0xB0];
	v3 =	vmul.f32 $5.656854150e+00, v3;
	[tilespmem:s20+$0x60] =	vst v5;
	s20 =	smov.u32 s22  }
0xbe: {  	v13 =	vld [tilespmem:s22+$0x50];
	[tilespmem:s22+$0xA0] =	vst v7  }
.Ltmp4:
0xbf: {  	v4 =	vmul.f32 $5.656854150e+00, v8;
	[tilespmem:s22+$0xD0] =	vst v3;
	v6 =	vld [tilespmem:s22+$0xF0];
	(pc) =	sbr.rel @p0 .LBB2_10-.Ltmp4, $4  }
0xc0: {  	v3 =	vld [tilespmem:s22+$0x80];
	v7 =	vmul.f32 $5.656854150e+00, v10;
	[tilespmem:s22+$0xE0] =	vst v9  }
0xc1: {  	v9 =	vmul.f32 $5.656854150e+00, v11;
	[tilespmem:s22+$0x40] =	vst v4;
	v4 =	vld [tilespmem:s22+$0x70]  }
0xc2: {  	v1 =	vmul.f32 $5.656854150e+00, v1;
	v8 =	vmul.f32 $5.656854150e+00, v2;
	v5 =	vld [tilespmem:s22+$0x60];
	[tilespmem:s22+$0xC0] =	vst v7  }
0xc3: {  	v2 =	vmul.f32 $5.656854150e+00, v12;
	s22 =	sadd.s32 $0x100, s22;
	[tilespmem:s20+$0x20] =	vst v9;
	v7 =	vld [tilespmem:s20+$0x30];
	v9 =	vmul.f32 $5.656854150e+00, v13  }
0xc4: {  	[tilespmem:s20+$0x0] =	vst v8  }
0xc5: {  	[tilespmem:s20+$0x10] =	vst v1  }
0xc6: {  	v6 =	vmul.f32 $5.656854150e+00, v6;
	[tilespmem:s20+$0x50] =	vst v9  }
0xc7: {  	v0 =	vmul.f32 $5.656854150e+00, v0;
	[tilespmem:s20+$0xB0] =	vst v2  }
0xc8: {  	v3 =	vmul.f32 $5.656854150e+00, v3;
	[tilespmem:s20+$0xF0] =	vst v6  }
0xc9: {  	[tilespmem:s20+$0x90] =	vst v0;
	v62 =	vmul.f32 $5.656854150e+00, v4  }
0xca: {  	[tilespmem:s20+$0x80] =	vst v3;
	v63 =	vmul.f32 $5.656854150e+00, v5  }
0xcb: {  	v61 =	vmul.f32 $5.656854150e+00, v7;
	[tilespmem:s20+$0x70] =	vst v62  }
0xcc: {  	[tilespmem:s20+$0x60] =	vst v63  }
0xcd: {  	s19 =	sadd.s32 $0x1, s19;
	[tilespmem:s20+$0x30] =	vst v61  }
0xce: {  	[hbm4b:s9+s3] =	stream.linear.scatter [tilespmem:s14], [sflag:$0x4], $0xA000, $0x38;
	[tilespmem:$0x1A400] =	vst v63  }
0xcf: {  	p0 =	sne.s32 s19, s10;
	_ =	swait.ge [sflag:s16], $0xA000  }
.Ltmp5:
0xd0: {  	[sflag:s16] =	ssyncset.done $0x0;
	(pc) =	sbr.rel @p0 .LBB2_1-.Ltmp5, $4  }
0xd1: {  	[sflag:s16] =	ssyncadd.s32 $0xFFFF6000  }
0xd2: {  	_ =	swait.ge [sflag:s18], $0xA000  }
0xd3: {  	[sflag:s18] =	ssyncset.done $0x0  }
0xd4: {  	[sflag:s18] =	ssyncadd.s32 $0xFFFF6000  }
0xd5: {  	_ =	sfence.sel $0x180000  }
0xd6: {  	[bflag:$0x0] =	sbarrier.arrive $0xFFFF  }
0xd7: {  	p0 =	sne.s32 s0, $0x0;
	_ =	strace $0x90000047  }
0xd8: {  	s0 =	sadd.s32 @!p0 $0x100000, s1;
	[bflag:$0x2] =	sbarrier.arrive $0xFFFF  }
0xd9: {  	[sflag:s0] =	ssyncadd.tile.s32 @!p0 $0x1;
	_ =	shalt  }
.Lfunc_end2:
_tile_overlayer_lowered:
.L_overlay_start_2:
0xda: {  	(tag) =	ssettag $0x2  }
0xdb: {  	s0 =	rddreg [dreg:$0x0];
	s2 =	stileid.u32  }
0xdc: {  	s1 =	rddreg [dreg:$0x1];
	p0 =	sne.s32 s2, $0x0  }
0xdd: {  	s3 =	rddreg [dreg:$0x2];
	[bflag:$0x3] =	sbarrier.arrive $0xFFFF;
	s2 =	simm.s32 @!p0 $0x1C05  }
0xde: {  	[timem:s3], [sflag:s2] =	dma.local @!p0 [hbm:s0], s1  }
0xdf: {  	s0 =	simm.s32 @!p0 $0x5  }
0xe0: {  	_ =	swait.ge @!p0 [sflag:s0], s1  }
0xe1: {  	s1 =	ssub.s32 @!p0 $0x0, s1;
	[sflag:s0] =	ssyncset.done @!p0 $0x0  }
0xe2: {  	[sflag:s0] =	ssyncadd.s32 @!p0 s1  }
0xe3: {  	[bflag:$0x3] =	sbarrier.arrive $0xFFFF  }
0xe4: {  	_ =	shalt  }

// kernel: sparse-core-data-format-call.cloned.1.call-start
scs
called_computation_lowered:
.L_overlay_start_0:
0x0: {  	s2 =	sld [smem:$0x3FD9]  }
0x1: {  	s3 =	sld [smem:$0x3FFE];
	_ =	sdelay $0x1  }
0x2: {  	s1 =	srdreg.scid  }
0x3: {  	s0 =	sand.u32 $0x1, s1  }
0x4: {  	s18 =	sshll.u32 s0, $0xA;
	s2 =	sadd.s32 s3, s2  }
0x5: {  	s2 =	sadd.s32 s2, s18  }
0x6: {  	[smem:$0x3FC6] =	sst s2  }
0x7: {  	_ = 	snop  }
0x8: {  	s2 =	sld [smem:$0x3FD0];
	(tm) =	ssettm $0x1  }
0x9: {  	s19 =	sld [smem:$0x3FFB];
	_ =	sdelay $0x3  }
0xa: {  	_ =	strace s19  }
0xb: {  	s3 =	sld [smem:$0x3FFC];
	_ =	sdelay $0x3  }
0xc: {  	_ =	strace s3  }
0xd: {  	s3 =	sld [smem:$0x3FFD];
	_ =	sdelay $0x3  }
0xe: {  	_ =	strace s3  }
0xf: {  	_ =	strace $0x8FFFFFFF  }
0x10: {  	s20 =	sld [smem:$0x3FDB];
	_ =	sdelay $0x1  }
0x11: {  	s4 =	simm.s32 $_scs_section_size  }
0x12: {  	s5 =	simm.s32 $_size__tile_overlayer_lowered;
	s6 =	simm.s32 $_tile_overlayer_lowered  }
0x13: {  	s23 =	simm.s32 $0x1BFF;
	s22 =	sshll.u32 s6, $0x1;
	s3 =	sadd.s32 s4, s20  }
0x14: {  	s7 =	simm.s32 $0x0;
	s21 =	sshll.u32 s5, $0x1;
	s5 =	sadd.s32 s22, s3  }
0x15: {  	[timem:s7], [sflag:s23] =	dma.local [hbm:s5], s21  }
0x16: {  	_ =	swait.ge [sflag:s23], s21  }
0x17: {  	s4 =	ssub.s32 $0x0, s21;
	[sflag:s23] =	ssyncset.done $0x0  }
0x18: {  	[sflag:s23] =	ssyncadd.s32 s4;
	_ =	sdelay $0x1  }
0x19: {  	s24 =	simm.s32 $0x1B8B  }
0x1a: {  	_ =	swait.ge [sflag:s24], $0x1  }
0x1b: {  	[sflag:s24] =	ssyncset.done $0x0  }
0x1c: {  	s26 =	simm.s32 $0x1B8E;
	s25 =	sld [smem:$0x3FFE];
	[sflag:s24] =	ssyncadd.s32 $0xFFFFFFFF  }
0x1d: {  	s27 =	simm.s32 $execute0_lowered;
	[smem:$0x3FD2] =	sst s26  }
0x1e: {  	s5 =	sshll.u32 s27, $0x1;
	_ =	strace $0x80000049;
	[dreg:$0x1] =	wrdreg $0xFFFFFFFF  }
0x1f: {  	s28 =	simm.s32 $_size_execute0_lowered;
	s3 =	sadd.s32 s3, s5;
	[dreg:$0x0] =	wrdreg $0x0  }
0x20: {  	s5 =	sshll.u32 s28, $0x1;
	[dreg:$0x2] =	wrdreg s3  }
0x21: {  	[dreg:$0x3] =	wrdreg s5  }
0x22: {  	[dreg:$0x4] =	wrdreg $0xC0  }
0x23: {  	_ =	task [dreg:s7], $0x5FFFF  }
0x24: {  	[dreg:$0x1] =	wrdreg $0xFFFFFFFF  }
0x25: {  	[dreg:$0x0] =	wrdreg $0x60  }
0x26: {  	[dreg:$0x2] =	wrdreg s25  }
0x27: {  	[dreg:$0x3] =	wrdreg s2  }
0x28: {  	[dreg:$0x4] =	wrdreg $0x9  }
0x29: {  	_ =	task.clear_ibuf [dreg:s7], $0x5FFFF;
	_ =	strace $0x90000049  }
0x2a: {  	s29 =	simm.s32 $0x9;
	_ =	strace $0x8000004B  }
0x2b: {  	_ =	swait.ge [sflag:s29], $0x1  }
0x2c: {  	[sflag:s29] =	ssyncadd.s32 $0xFFFFFFFF  }
0x2d: {  	_ =	strace $0x9000004B  }
0x2e: {  	_ =	sfence  }
0x2f: {  	s30 =	sld [smem:$0x0];
	_ =	sdelay $0x2  }
0x30: {  	s31 =	sshll.u32 s1, $0xD;
	s1 =	sshrl.u32 s1, $0x2  }
0x31: {  	s3 =	sand.u32 $0x4000, s31;
	s1 =	sadd.s32 s1, s30  }
0x32: {  	s0 =	sor.u32 s3, s0;
	s1 =	sshll.u32 s1, $0x11  }
0x33: {  	s0 =	sor.u32 s1, s0  }
0x34: {  	s0 =	sadd.s32 $0x8F2B, s0  }
0x35: {  	[sflag:s0] =	ssyncadd.remote.s32 $0x1  }
0x36: {  	_ =	sfence.sel $0xFFFF  }
0x37: {  	[dreg:$0x0] =	wrdreg $0xFFFFFFFF;
	(pc) =	sbr.abs _section_cstart, $3  }
0x38: {  	[dreg:$0x1] =	wrdreg $0xFFFFFFFF  }
0x39: {  	_ =	task.clear_ibuf [dreg:s7], $0x2FFFF;
	_ =	strace $0x9FFFFFFF  }
0x3a: {  	(tm) =	ssettm $0x7FFFFFFF  }
0x3b: {  	_ =	shalt  }
tec
execute0_lowered:
.L_overlay_start_1:
0x0: {  	(tag) =	ssettag $0x1  }
0x1: {  	s0 =	srdreg.scid  }
0x2: {  	s1 =	sshll.u32 s0, $0x4  }
0x3: {  	s0 =	stileid.u32;
	s1 =	sand.u32 $0x10, s1  }
0x4: {  	s1 =	sor.u32 s0, s1  }
0x5: {  	s6 =	rddreg [dreg:$0x0];
	s4 =	simm.s32 $0x1;
	s2 =	sshll.u32 s1, $0x7  }
0x6: {  	s7 =	simm.s32 $0x2;
	s12 =	simm.s32 $0x0;
	s1 =	ssub.s32 $0x1000, s2  }
0x7: {  	s8 =	simm.s32 $0x8000;
	s13 =	simm.s32 $0x0;
	s3 =	sand.u32 $0xF80, s1  }
0x8: {  	s9 =	simm.s32 $0x0;
	s5 =	sshrl.u32 s1, $0xC;
	p0 =	sne.s32 s3, $0x0  }
.Ltmp0:
0x9: {  	s1 =	rddreg [dreg:$0x2];
	s4 =	simm.s32 @!p0 $0x0;
	(pc) =	sbr.rel .LBB1_1-.Ltmp0, $4  }
0xa: {  	s11 =	simm.s32 $0x0;
	s3 =	rddreg [dreg:$0x1];
	s5 =	sadd.s32 s4, s5  }
0xb: {  	_ =	strace $0x8000004A;
	s4 =	simm.s32 $0x1;
	s5 =	smul.u32 $0xC8, s5  }
0xc: {  	s6 =	sadd.s32 $0xA00, s6;
	s10 =	smov.u32 s2;
	[sflag:s4] =	ssyncpa.u1 $0x0  }
0xd: {  	p0 =	por $0x0, $0x0;
	[sflag:s7] =	ssyncpa.u1 $0x0;
	s7 =	sor.u32 $0x1, s5  }
.LBB1_4:
0xe: {  	s16 =	sshll.u32 s13, $0x3;
	s17 =	sand.u32 $0x78, s13  }
0xf: {  	s30 =	sand.u32 $0x3E00, s13;
	s12 =	sshll.u32 s12, $0xE;
	s16 =	sand.u32 $0xC00, s16  }
0x10: {  	s31 =	sand.u32 $0x7, s13;
	s16 =	sor.u32 s17, s16;
	s17 =	sadd.s32 s3, s30  }
0x11: {  	s13 =	sshll.u32 s31, $0x12;
	s16 =	sshrl.u32 s16, $0x3;
	s12 =	sadd.s32 s12, s17  }
0x12: {  	[tilespmem:s15+$0x0 ss:$0x81] =	vst.msk $0xffff, v0;
	s13 =	sor.u32 $0x400, s13;
	s12 =	sadd.s32 s16, s12  }
0x13: {  	[hbm4b:s12+s13] =	stream.strided.scatter [tilespmem:s14], [sflag:$0x2], $0x1000, s8, s13, $0x20;
	[tilespmem:$0x4040] =	vst v63  }
.LBB1_5:
0x14: {  	s14 =	sadd.s32 $0x1, s9  }
0x15: {  	s12 =	sadd.s32 $0x1000, s10;
	s16 =	smov.u32 s10;
	p2 =	sgt.s32 s14, $0xC7  }
0x16: {  	s16 =	smov.u32 @p2 s12  }
0x17: {  	s14 =	simm.s32 @p2 $0x0;
	p2 =	sgt.s32 s16, $0xFFF  }
0x18: {  	s16 =	smov.u32 @p2 s2;
	p2 =	sne.s32 s11, s7  }
.Ltmp1:
0x19: {  	p1 =	slt.u32 s11, $0x2;
	(pc) =	sbr.rel @!p2 .LBB1_6-.Ltmp1, $4  }
0x1a: {  	s15 =	simm.s32 @!p1 $0x2  }
0x1b: {  	s13 =	smov.u32 s10;
	p0 =	por !p0, !p0;
	_ =	swait.ge @!p1 [sflag:s15], $0x1000  }
0x1c: {  	s12 =	smov.u32 s9;
	[sflag:s15] =	ssyncset.done @!p1 $0x0;
	s9 =	smov.u32 s14  }
0x1d: {  	s11 =	sadd.s32 $0x1, s11;
	[sflag:s15] =	ssyncadd.s32 @!p1 $0xFFFFF000;
	s10 =	smov.u32 s16  }
.LBB1_1:
0x1e: {  	p1 =	sge.u32 s11, s5  }
0x1f: {  	s14 =	sand.u32 @!p1 $0x1FFFFFF, s9  }
0x20: {  	s15 =	smulhi.u32 @!p1 $0x147AE15, s14;
	_ =	sdelay $0x1  }
0x21: {  	s15 =	smul.u32 @!p1 $0xC8, s15  }
0x22: {  	s16 =	sxor.u32 @!p1 $0xFFFFFFFF, s11;
	s17 =	smul.u32 @!p1 $0xC80, s10  }
0x23: {  	s31 =	sadd.s32 $0xFFFFFFFF, s11;
	s16 =	sshll.u32 @!p1 s16, $0xC;
	s14 =	ssub.s32 @!p1 s14, s15  }
0x24: {  	s15 =	sand.u32 @!p1 $0x1000, s16;
	s16 =	sadd.s32 @!p1 s6, s17;
	s14 =	sshll.u32 @!p1 s14, $0x4  }
0x25: {  	s17 =	simm.s32 @!p1 $0x6400;
	s14 =	sadd.s32 @!p1 s14, s16;
	s16 =	simm.s32 @!p1 $0x20  }
0x26: {  	[tilespmem:s15], [sflag:$0x1] =	stream.strided.gather @!p1 [hbm4b:s14+s16], $0x1000, s17, s16, $0x38;
	[tilespmem:$0x4040] =	vst v63  }
0x27: {  	p1 =	sge.u32 s31, s5  }
.Ltmp2:
0x28: {  	_ = 	snop;
	(pc) =	sbr.rel @p1 .LBB1_5-.Ltmp2, $1  }
0x29: {  	_ =	sdelay $0x3  }
0x2a: {  	s14 =	simm.s32 $0x1  }
0x2b: {  	_ =	swait.ge [sflag:s4], $0x1000;
	s14 =	simm.s32 @!p0 $0x0  }
0x2c: {  	[sflag:s4] =	ssyncset.done $0x0;
	s15 =	sshll.u32 s14, $0xC  }
0x2d: {  	[sflag:s4] =	ssyncadd.s32 $0xFFFFF000;
	s18 =	sor.u32 $0x10, s15  }
0x2e: {  	s14 =	smul.u32 $0x4080, s14;
	v1 =	vld [tilespmem:s18+$0x0]  }
0x2f: {  	s30 =	sand.u32 $0x1, s11;
	v0 =	vld [tilespmem:s18+$0xFFFFFFF0]  }
0x30: {  	s15 =	smul.u32 $0x4080, s30;
	s14 =	sshrl.u32 s14, $0x2  }
0x31: {  	s16 =	sor.u32 $0x2000, s14  }
0x32: {  	s31 =	sshrl.u32 s15, $0x2;
	s15 =	sadd.s32 $0x0, s16  }
0x33: {  	s17 =	simm.s32 $0x4;
	s18 =	sadd.s32 $0x20, s18;
	s14 =	sor.u32 $0x2000, s31;
	[tilespmem:s15+$0x810 ss:$0x81] =	vst.msk $0xffff, v1  }
.LBB1_3:
0x34: {  	v1 =	vld [tilespmem:s18+$0x0];
	p1 =	sne.s32 s17, $0x1FC;
	[tilespmem:s15+$0x0 ss:$0x81] =	vst.msk $0xffff, v0;
	s15 =	smov.u32 s17;
	s17 =	sadd.s32 $0x4, s17  }
.Ltmp3:
0x35: {  	v0 =	vld [tilespmem:s18+$0xFFFFFFF0];
	(pc) =	sbr.rel @p1 .LBB1_3-.Ltmp3, $4  }
0x36: {  	_ = 	snop  }
0x37: {  	s15 =	sshra.s32 s15, $0x2  }
0x38: {  	s15 =	sadd.s32 s15, s16  }
0x39: {  	s18 =	sadd.s32 $0x20, s18;
	[tilespmem:s15+$0x810 ss:$0x81] =	vst.msk $0xffff, v1  }
.Ltmp4:
0x3a: {  	_ = 	snop;
	(pc) =	sbr.rel .LBB1_4-.Ltmp4, $1  }
0x3b: {  	_ =	sdelay $0x3  }
.LBB1_6:
0x3c: {  	_ =	sfence.sel $0x180000  }
0x3d: {  	s2 =	simm.s32 $0x1;
	[bflag:$0x0] =	sbarrier.arrive $0xFFFF  }
0x3e: {  	s31 =	simm.s32 $0x2;
	[sflag:s2] =	ssyncpa.u1 $0x1  }
0x3f: {  	[sflag:s31] =	ssyncpa.u1 $0x1  }
0x40: {  	p0 =	sne.s32 s0, $0x0;
	_ =	strace $0x9000004A  }
0x41: {  	s0 =	sadd.s32 @!p0 $0x100000, s1;
	[bflag:$0x2] =	sbarrier.arrive $0xFFFF  }
0x42: {  	[sflag:s0] =	ssyncadd.tile.s32 @!p0 $0x1;
	_ =	shalt  }
.Lfunc_end1:
_tile_overlayer_lowered:
.L_overlay_start_2:
0x43: {  	(tag) =	ssettag $0x2  }
0x44: {  	s0 =	rddreg [dreg:$0x0];
	s2 =	stileid.u32  }
0x45: {  	s1 =	rddreg [dreg:$0x1];
	p0 =	sne.s32 s2, $0x0  }
0x46: {  	s3 =	rddreg [dreg:$0x2];
	[bflag:$0x3] =	sbarrier.arrive $0xFFFF;
	s2 =	simm.s32 @!p0 $0x1C01  }
0x47: {  	[timem:s3], [sflag:s2] =	dma.local @!p0 [hbm:s0], s1  }
0x48: {  	s0 =	simm.s32 @!p0 $0x1  }
0x49: {  	_ =	swait.ge @!p0 [sflag:s0], s1  }
0x4a: {  	s1 =	ssub.s32 @!p0 $0x0, s1;
	[sflag:s0] =	ssyncset.done @!p0 $0x0  }
0x4b: {  	[sflag:s0] =	ssyncadd.s32 @!p0 s1  }
0x4c: {  	[bflag:$0x3] =	sbarrier.arrive $0xFFFF  }
0x4d: {  	_ =	shalt  }

</sc_bundles>
